<compile_context>
chip_gen: v7x
topology: tpu7x:2x2x1
jax: 0.10.2.dev20260603
libtpu: 0.0.44.dev20260713+nightly
codegen_flags: <defaults>
</compile_context>

<pallas_src>
import functools

import jax
import jax.numpy as jnp
import numpy as np
from jax import lax
from jax.experimental import pallas as pl
from jax.experimental.pallas import tpu as pltpu
from jax.experimental.pallas import tpu_sc as plsc

BATCH = 4
SEQ = 2048
D = 1024
NC, NS = 2, 16
NW = NC * NS
TOK = BATCH * SEQ
ROWS_PW = TOK // NW
GC = 16
NGC = ROWS_PW // GC
NSLOT = 4
OUT_LAG = 2

BLK = 1024
EPS = 1e-5


def _gather_body(idx_hbm, tok_hbm, out_hbm, idx_v, buf, sg0, sg1, sg2, sg3,
                 so0, so1, so2, so3):
    wid = lax.axis_index("s") * NC + lax.axis_index("c")
    base = wid * ROWS_PW
    sg = (sg0, sg1, sg2, sg3)
    so = (so0, so1, so2, so3)

    pltpu.sync_copy(idx_hbm.at[pl.ds(wid * NGC, NGC)], idx_v)

    def start_g(c, b):
        pltpu.async_copy(tok_hbm.at[idx_v.at[c]], buf.at[b], sg[b])

    def wait_g(b):
        pltpu.make_async_copy(tok_hbm.at[pl.ds(0, GC)], buf.at[b],
                              sg[b]).wait()

    def start_o(c, b):
        pltpu.async_copy(buf.at[b], out_hbm.at[pl.ds(base + c * GC, GC)],
                         so[b])

    def wait_o(b):
        pltpu.make_async_copy(buf.at[b], out_hbm.at[pl.ds(0, GC)],
                              so[b]).wait()

    for g in range(NGC + OUT_LAG):
        if g < NGC:
            b = g % NSLOT
            if g >= NSLOT:
                wait_o(b)
            start_g(g, b)
        if g >= OUT_LAG:
            c = g - OUT_LAG
            b2 = c % NSLOT
            wait_g(b2)
            start_o(c, b2)
    for c in range(NGC - NSLOT, NGC):
        wait_o(c % NSLOT)


def _sc_gather(idx, token_table):
    mesh = plsc.VectorSubcoreMesh(core_axis_name="c", subcore_axis_name="s")
    fn = pl.kernel(
        _gather_body,
        out_type=jax.ShapeDtypeStruct((TOK, D), jnp.float32),
        mesh=mesh,
        compiler_params=pltpu.CompilerParams(needs_layout_passes=False),
        scratch_types=[
            pltpu.VMEM((NGC, GC), jnp.int32),
            pltpu.VMEM((NSLOT, GC, D), jnp.float32),
            pltpu.SemaphoreType.DMA,
            pltpu.SemaphoreType.DMA,
            pltpu.SemaphoreType.DMA,
            pltpu.SemaphoreType.DMA,
            pltpu.SemaphoreType.DMA,
            pltpu.SemaphoreType.DMA,
            pltpu.SemaphoreType.DMA,
            pltpu.SemaphoreType.DMA,
        ],
    )
    return fn(idx.reshape(TOK // GC, GC), token_table)


def _ln_block(g_ref, p_ref, gam_ref, bet_ref, o_ref):
    x = g_ref[...] + p_ref[...]
    mean = jnp.mean(x, axis=-1, keepdims=True)
    xc = x - mean
    var = jnp.mean(xc * xc, axis=-1, keepdims=True)
    rstd = lax.rsqrt(var + EPS)
    o_ref[...] = xc * rstd * gam_ref[...] + bet_ref[...]


def _tc_ln(gathered, pos_table, ln_gamma, ln_beta):
    pos_rep = SEQ // BLK
    nbat = TOK // SEQ
    return pl.pallas_call(
        _ln_block,
        grid=(pos_rep, nbat),
        in_specs=[
            pl.BlockSpec((BLK, D), lambda i, j: (j * (SEQ // BLK) + i, 0)),
            pl.BlockSpec((BLK, D), lambda i, j: (i, 0)),
            pl.BlockSpec((1, D), lambda i, j: (0, 0)),
            pl.BlockSpec((1, D), lambda i, j: (0, 0)),
        ],
        out_specs=pl.BlockSpec((BLK, D), lambda i, j: (j * (SEQ // BLK) + i, 0)),
        out_shape=jax.ShapeDtypeStruct((TOK, D), jnp.float32),
    )(gathered, pos_table, ln_gamma.reshape(1, D), ln_beta.reshape(1, D))


@jax.jit
def _run(idx, token_table, pos_table, ln_gamma, ln_beta):
    gathered = _sc_gather(idx, token_table)
    return _tc_ln(gathered, pos_table, ln_gamma, ln_beta)


def kernel(input_token, token_table, pos_table, ln_gamma, ln_beta):
    idx = input_token.reshape(-1).astype(jnp.int32)
    out = _run(idx, token_table, pos_table, ln_gamma, ln_beta)
    return out.reshape(BATCH, SEQ, D)

# --- scband reference (transcript-rebuilt; emitter-appended) ---
"""Pipeline reference for scband-total-embedding-77910706749665 (READ-ONLY COPY).

The authoritative reference and input builder live on the scoring server;
editing this copy changes nothing except your own understanding.
"""

import jax, jax.numpy as jnp
import numpy as np

VOCAB = 100000
DIM_OUT = 1024
DIM_INP = 2048
BATCH = 4
SEQ = 2048


def setup_inputs(seed: int = 0) -> dict:
    key = jax.random.key(seed)
    k1, k2, k3 = jax.random.split(key, 3)
    input_token = jax.random.randint(k1, (BATCH, SEQ), 0, VOCAB, dtype=jnp.int64 if jax.config.jax_enable_x64 else jnp.int32)
    token_table = jax.random.normal(k2, (VOCAB, DIM_OUT), dtype=jnp.float32) * 0.02
    pos_table = jax.random.normal(k3, (DIM_INP, DIM_OUT), dtype=jnp.float32) * 0.02
    ln_gamma = jnp.ones((DIM_OUT,), dtype=jnp.float32)
    ln_beta = jnp.zeros((DIM_OUT,), dtype=jnp.float32)
    return {
        "input_token": input_token,
        "token_table": token_table,
        "pos_table": pos_table,
        "ln_gamma": ln_gamma,
        "ln_beta": ln_beta,
    }


def _layer_norm(x, gamma, beta, eps=1e-5):
    mean = jnp.mean(x, axis=-1, keepdims=True)
    var = jnp.mean((x - mean) ** 2, axis=-1, keepdims=True)
    x_hat = (x - mean) / jnp.sqrt(var + eps)
    return x_hat * gamma + beta


def reference(input_token, token_table, pos_table, ln_gamma, ln_beta):
    seq_length = input_token.shape[1]
    position_ids = jnp.arange(seq_length)  # position_ids[:, :seq_length]
    tok_emb = jnp.take(token_table, input_token, axis=0)          # [B, S, D]
    pos_emb = jnp.take(pos_table, position_ids, axis=0)[None]     # [1, S, D] broadcasts
    out = tok_emb + pos_emb
    return _layer_norm(out, ln_gamma, ln_beta)

if __name__ == "__main__":
    import jax
    _d = setup_inputs()
    print(jax.jit(kernel)(*tuple(_d.values())))

</pallas_src>

<mosaic_0001>
#map = affine_map<(d0, d1) -> (0, 0)>
module attributes {stable_mosaic.version = 14 : i64} {
  func.func @_gather_body(%arg0: i32, %arg1: i32, %arg2: memref<512x16xi32, #tpu.memory_space<hbm>>, %arg3: memref<100000x1024xf32, #tpu.memory_space<hbm>>, %arg4: memref<8192x1024xf32, #tpu.memory_space<hbm>>, %arg5: memref<16x16xi32, #tpu.memory_space<vmem>>, %arg6: memref<4x16x1024xf32, #tpu.memory_space<vmem>>, %arg7: memref<!tpu.dma_semaphore, #tpu.memory_space<semaphore_mem>>, %arg8: memref<!tpu.dma_semaphore, #tpu.memory_space<semaphore_mem>>, %arg9: memref<!tpu.dma_semaphore, #tpu.memory_space<semaphore_mem>>, %arg10: memref<!tpu.dma_semaphore, #tpu.memory_space<semaphore_mem>>, %arg11: memref<!tpu.dma_semaphore, #tpu.memory_space<semaphore_mem>>, %arg12: memref<!tpu.dma_semaphore, #tpu.memory_space<semaphore_mem>>, %arg13: memref<!tpu.dma_semaphore, #tpu.memory_space<semaphore_mem>>, %arg14: memref<!tpu.dma_semaphore, #tpu.memory_space<semaphore_mem>>) attributes {dimension_semantics = [#tpu.dimension_semantics<core_parallel>, #tpu.dimension_semantics<subcore_parallel>], iteration_bounds = array<i64: 2, 16>, scalar_prefetch = 0 : i64, scratch_operands = 10 : i64, tpu.core_type = #tpu.core_type<sc_vector_subcore>, window_params = [{transform_indices = #map}, {transform_indices = #map}, {transform_indices = #map}]} {
    %mul3A = arith.constant 2 : i32
    %mul3A_0 = arith.muli %arg1, %mul3A : i32
    %add3A = arith.addi %mul3A_0, %arg0 : i32
    %mul3A_1 = arith.constant 256 : i32
    %mul3A_2 = arith.muli %add3A, %mul3A_1 : i32
    %mul3A_3 = arith.constant 16 : i32
    %mul3A_4 = arith.muli %add3A, %mul3A_3 : i32
    "tpu.region"() ({
      %run_scoped3A = tpu.sem_alloc : memref<!tpu.dma_semaphore, #tpu.memory_space<semaphore_mem>>
      %dma_start3A_915 = arith.constant 0 : i32
      %dma_start3A_916 = tpu.memref_slice %arg2[%mul3A_4, %dma_start3A_915] : memref<512x16xi32, #tpu.memory_space<hbm>> -> memref<16x16xi32, #tpu.memory_space<hbm>>
      %dma_start3A_917 = arith.constant 0 : i32
      %dma_start3A_918 = tpu.memref_slice %arg2[%mul3A_4, %dma_start3A_917] : memref<512x16xi32, #tpu.memory_space<hbm>> -> memref<16x16xi32, #tpu.memory_space<hbm>>
      tpu.enqueue_dma source(%dma_start3A_918 : memref<16x16xi32, #tpu.memory_space<hbm>>) target(%arg5 : memref<16x16xi32, #tpu.memory_space<vmem>>) target_semaphore(%run_scoped3A : memref<!tpu.dma_semaphore, #tpu.memory_space<semaphore_mem>>)
      %dma_wait3A_919 = arith.constant 0 : i32
      %dma_wait3A_920 = tpu.memref_slice %arg2[%mul3A_4, %dma_wait3A_919] : memref<512x16xi32, #tpu.memory_space<hbm>> -> memref<16x16xi32, #tpu.memory_space<hbm>>
      %dma_wait3A_921 = arith.constant 0 : i32
      %dma_wait3A_922 = tpu.memref_slice %arg2[%mul3A_4, %dma_wait3A_921] : memref<512x16xi32, #tpu.memory_space<hbm>> -> memref<16x16xi32, #tpu.memory_space<hbm>>
      tpu.wait_dma2 semaphore(%run_scoped3A : memref<!tpu.dma_semaphore, #tpu.memory_space<semaphore_mem>>) src(%dma_wait3A_922 : memref<16x16xi32, #tpu.memory_space<hbm>>) dst(%arg5 : memref<16x16xi32, #tpu.memory_space<vmem>>)
      tpu.yield
    }) : () -> ()
    %dma_start3A = arith.constant 0 : i32
    %dma_start3A_5 = arith.constant 0 : i32
    %dma_start3A_6 = arith.constant 0 : i32
    %dma_start3A_7 = arith.constant 0 : i32
    %dma_start3A_8 = tpu.memref_slice %arg6[%dma_start3A_5, %dma_start3A_6, %dma_start3A_7] : memref<4x16x1024xf32, #tpu.memory_space<vmem>> -> memref<1x16x1024xf32, #tpu.memory_space<vmem>>
    %dma_start3A_9 = tpu.memref_squeeze %dma_start3A_8 : memref<1x16x1024xf32, #tpu.memory_space<vmem>> -> memref<16x1024xf32, #tpu.memory_space<vmem>>
    %dma_start3A_10 = arith.constant 0 : i32
    %dma_start3A_11 = tpu.memref_slice %arg5[%dma_start3A, %dma_start3A_10] : memref<16x16xi32, #tpu.memory_space<vmem>> -> memref<1x16xi32, #tpu.memory_space<vmem>>
    %dma_start3A_12 = tpu.memref_squeeze %dma_start3A_11 : memref<1x16xi32, #tpu.memory_space<vmem>> -> memref<16xi32, #tpu.memory_space<vmem>>
    %dma_start3A_13 = arith.constant 0 : i32
    %dma_start3A_14 = arith.constant 0 : i32
    %dma_start3A_15 = tpu.memref_slice %arg3[%dma_start3A_13, %dma_start3A_14] : memref<100000x1024xf32, #tpu.memory_space<hbm>> -> memref<100000x1024xf32, #tpu.memory_space<hbm>>
    tpu.enqueue_indirect_dma source(%dma_start3A_15 : memref<100000x1024xf32, #tpu.memory_space<hbm>>) target(%dma_start3A_9 : memref<16x1024xf32, #tpu.memory_space<vmem>>) offsets(%dma_start3A_12 : memref<16xi32, #tpu.memory_space<vmem>>) semaphore(%arg7 : memref<!tpu.dma_semaphore, #tpu.memory_space<semaphore_mem>>)
    %dma_start3A_16 = arith.constant 1 : i32
    %dma_start3A_17 = arith.constant 1 : i32
    %dma_start3A_18 = arith.constant 0 : i32
    %dma_start3A_19 = arith.constant 0 : i32
    %dma_start3A_20 = tpu.memref_slice %arg6[%dma_start3A_17, %dma_start3A_18, %dma_start3A_19] : memref<4x16x1024xf32, #tpu.memory_space<vmem>> -> memref<1x16x1024xf32, #tpu.memory_space<vmem>>
    %dma_start3A_21 = tpu.memref_squeeze %dma_start3A_20 : memref<1x16x1024xf32, #tpu.memory_space<vmem>> -> memref<16x1024xf32, #tpu.memory_space<vmem>>
    %dma_start3A_22 = arith.constant 0 : i32
    %dma_start3A_23 = tpu.memref_slice %arg5[%dma_start3A_16, %dma_start3A_22] : memref<16x16xi32, #tpu.memory_space<vmem>> -> memref<1x16xi32, #tpu.memory_space<vmem>>
    %dma_start3A_24 = tpu.memref_squeeze %dma_start3A_23 : memref<1x16xi32, #tpu.memory_space<vmem>> -> memref<16xi32, #tpu.memory_space<vmem>>
    %dma_start3A_25 = arith.constant 0 : i32
    %dma_start3A_26 = arith.constant 0 : i32
    %dma_start3A_27 = tpu.memref_slice %arg3[%dma_start3A_25, %dma_start3A_26] : memref<100000x1024xf32, #tpu.memory_space<hbm>> -> memref<100000x1024xf32, #tpu.memory_space<hbm>>
    tpu.enqueue_indirect_dma source(%dma_start3A_27 : memref<100000x1024xf32, #tpu.memory_space<hbm>>) target(%dma_start3A_21 : memref<16x1024xf32, #tpu.memory_space<vmem>>) offsets(%dma_start3A_24 : memref<16xi32, #tpu.memory_space<vmem>>) semaphore(%arg8 : memref<!tpu.dma_semaphore, #tpu.memory_space<semaphore_mem>>)
    %dma_start3A_28 = arith.constant 2 : i32
    %dma_start3A_29 = arith.constant 2 : i32
    %dma_start3A_30 = arith.constant 0 : i32
    %dma_start3A_31 = arith.constant 0 : i32
    %dma_start3A_32 = tpu.memref_slice %arg6[%dma_start3A_29, %dma_start3A_30, %dma_start3A_31] : memref<4x16x1024xf32, #tpu.memory_space<vmem>> -> memref<1x16x1024xf32, #tpu.memory_space<vmem>>
    %dma_start3A_33 = tpu.memref_squeeze %dma_start3A_32 : memref<1x16x1024xf32, #tpu.memory_space<vmem>> -> memref<16x1024xf32, #tpu.memory_space<vmem>>
    %dma_start3A_34 = arith.constant 0 : i32
    %dma_start3A_35 = tpu.memref_slice %arg5[%dma_start3A_28, %dma_start3A_34] : memref<16x16xi32, #tpu.memory_space<vmem>> -> memref<1x16xi32, #tpu.memory_space<vmem>>
    %dma_start3A_36 = tpu.memref_squeeze %dma_start3A_35 : memref<1x16xi32, #tpu.memory_space<vmem>> -> memref<16xi32, #tpu.memory_space<vmem>>
    %dma_start3A_37 = arith.constant 0 : i32
    %dma_start3A_38 = arith.constant 0 : i32
    %dma_start3A_39 = tpu.memref_slice %arg3[%dma_start3A_37, %dma_start3A_38] : memref<100000x1024xf32, #tpu.memory_space<hbm>> -> memref<100000x1024xf32, #tpu.memory_space<hbm>>
    tpu.enqueue_indirect_dma source(%dma_start3A_39 : memref<100000x1024xf32, #tpu.memory_space<hbm>>) target(%dma_start3A_33 : memref<16x1024xf32, #tpu.memory_space<vmem>>) offsets(%dma_start3A_36 : memref<16xi32, #tpu.memory_space<vmem>>) semaphore(%arg9 : memref<!tpu.dma_semaphore, #tpu.memory_space<semaphore_mem>>)
    %dma_wait3A = arith.constant 0 : i32
    %dma_wait3A_40 = arith.constant 0 : i32
    %dma_wait3A_41 = arith.constant 0 : i32
    %dma_wait3A_42 = tpu.memref_slice %arg6[%dma_wait3A, %dma_wait3A_40, %dma_wait3A_41] : memref<4x16x1024xf32, #tpu.memory_space<vmem>> -> memref<1x16x1024xf32, #tpu.memory_space<vmem>>
    %dma_wait3A_43 = tpu.memref_squeeze %dma_wait3A_42 : memref<1x16x1024xf32, #tpu.memory_space<vmem>> -> memref<16x1024xf32, #tpu.memory_space<vmem>>
    %dma_wait3A_44 = arith.constant 0 : i32
    %dma_wait3A_45 = arith.constant 0 : i32
    %dma_wait3A_46 = tpu.memref_slice %arg3[%dma_wait3A_44, %dma_wait3A_45] : memref<100000x1024xf32, #tpu.memory_space<hbm>> -> memref<16x1024xf32, #tpu.memory_space<hbm>>
    %dma_wait3A_47 = arith.constant 0 : i32
    %dma_wait3A_48 = arith.constant 0 : i32
    %dma_wait3A_49 = tpu.memref_slice %arg6[%dma_wait3A, %dma_wait3A_47, %dma_wait3A_48] : memref<4x16x1024xf32, #tpu.memory_space<vmem>> -> memref<1x16x1024xf32, #tpu.memory_space<vmem>>
    %dma_wait3A_50 = tpu.memref_squeeze %dma_wait3A_49 : memref<1x16x1024xf32, #tpu.memory_space<vmem>> -> memref<16x1024xf32, #tpu.memory_space<vmem>>
    %dma_wait3A_51 = arith.constant 0 : i32
    %dma_wait3A_52 = arith.constant 0 : i32
    %dma_wait3A_53 = tpu.memref_slice %arg3[%dma_wait3A_51, %dma_wait3A_52] : memref<100000x1024xf32, #tpu.memory_space<hbm>> -> memref<16x1024xf32, #tpu.memory_space<hbm>>
    tpu.wait_dma2 semaphore(%arg7 : memref<!tpu.dma_semaphore, #tpu.memory_space<semaphore_mem>>) src(%dma_wait3A_53 : memref<16x1024xf32, #tpu.memory_space<hbm>>) dst(%dma_wait3A_50 : memref<16x1024xf32, #tpu.memory_space<vmem>>)
    %add3A_54 = arith.constant 0 : i32
    %add3A_55 = arith.addi %mul3A_2, %add3A_54 : i32
    %dma_start3A_56 = arith.constant 0 : i32
    %dma_start3A_57 = arith.constant 0 : i32
    %dma_start3A_58 = arith.constant 0 : i32
    %dma_start3A_59 = tpu.memref_slice %arg6[%dma_start3A_56, %dma_start3A_57, %dma_start3A_58] : memref<4x16x1024xf32, #tpu.memory_space<vmem>> -> memref<1x16x1024xf32, #tpu.memory_space<vmem>>
    %dma_start3A_60 = tpu.memref_squeeze %dma_start3A_59 : memref<1x16x1024xf32, #tpu.memory_space<vmem>> -> memref<16x1024xf32, #tpu.memory_space<vmem>>
    %dma_start3A_61 = arith.constant 0 : i32
    %dma_start3A_62 = tpu.memref_slice %arg4[%add3A_55, %dma_start3A_61] : memref<8192x1024xf32, #tpu.memory_space<hbm>> -> memref<16x1024xf32, #tpu.memory_space<hbm>>
    %dma_start3A_63 = arith.constant 0 : i32
    %dma_start3A_64 = tpu.memref_slice %arg4[%add3A_55, %dma_start3A_63] : memref<8192x1024xf32, #tpu.memory_space<hbm>> -> memref<16x1024xf32, #tpu.memory_space<hbm>>
    %dma_start3A_65 = arith.constant 0 : i32
    %dma_start3A_66 = arith.constant 0 : i32
    %dma_start3A_67 = tpu.memref_slice %arg6[%dma_start3A_56, %dma_start3A_65, %dma_start3A_66] : memref<4x16x1024xf32, #tpu.memory_space<vmem>> -> memref<1x16x1024xf32, #tpu.memory_space<vmem>>
    %dma_start3A_68 = tpu.memref_squeeze %dma_start3A_67 : memref<1x16x1024xf32, #tpu.memory_space<vmem>> -> memref<16x1024xf32, #tpu.memory_space<vmem>>
    tpu.enqueue_dma source(%dma_start3A_68 : memref<16x1024xf32, #tpu.memory_space<vmem>>) target(%dma_start3A_64 : memref<16x1024xf32, #tpu.memory_space<hbm>>) target_semaphore(%arg11 : memref<!tpu.dma_semaphore, #tpu.memory_space<semaphore_mem>>)
    %dma_start3A_69 = arith.constant 3 : i32
    %dma_start3A_70 = arith.constant 3 : i32
    %dma_start3A_71 = arith.constant 0 : i32
    %dma_start3A_72 = arith.constant 0 : i32
    %dma_start3A_73 = tpu.memref_slice %arg6[%dma_start3A_70, %dma_start3A_71, %dma_start3A_72] : memref<4x16x1024xf32, #tpu.memory_space<vmem>> -> memref<1x16x1024xf32, #tpu.memory_space<vmem>>
    %dma_start3A_74 = tpu.memref_squeeze %dma_start3A_73 : memref<1x16x1024xf32, #tpu.memory_space<vmem>> -> memref<16x1024xf32, #tpu.memory_space<vmem>>
    %dma_start3A_75 = arith.constant 0 : i32
    %dma_start3A_76 = tpu.memref_slice %arg5[%dma_start3A_69, %dma_start3A_75] : memref<16x16xi32, #tpu.memory_space<vmem>> -> memref<1x16xi32, #tpu.memory_space<vmem>>
    %dma_start3A_77 = tpu.memref_squeeze %dma_start3A_76 : memref<1x16xi32, #tpu.memory_space<vmem>> -> memref<16xi32, #tpu.memory_space<vmem>>
    %dma_start3A_78 = arith.constant 0 : i32
    %dma_start3A_79 = arith.constant 0 : i32
    %dma_start3A_80 = tpu.memref_slice %arg3[%dma_start3A_78, %dma_start3A_79] : memref<100000x1024xf32, #tpu.memory_space<hbm>> -> memref<100000x1024xf32, #tpu.memory_space<hbm>>
    tpu.enqueue_indirect_dma source(%dma_start3A_80 : memref<100000x1024xf32, #tpu.memory_space<hbm>>) target(%dma_start3A_74 : memref<16x1024xf32, #tpu.memory_space<vmem>>) offsets(%dma_start3A_77 : memref<16xi32, #tpu.memory_space<vmem>>) semaphore(%arg10 : memref<!tpu.dma_semaphore, #tpu.memory_space<semaphore_mem>>)
    %dma_wait3A_81 = arith.constant 1 : i32
    %dma_wait3A_82 = arith.constant 0 : i32
    %dma_wait3A_83 = arith.constant 0 : i32
    %dma_wait3A_84 = tpu.memref_slice %arg6[%dma_wait3A_81, %dma_wait3A_82, %dma_wait3A_83] : memref<4x16x1024xf32, #tpu.memory_space<vmem>> -> memref<1x16x1024xf32, #tpu.memory_space<vmem>>
    %dma_wait3A_85 = tpu.memref_squeeze %dma_wait3A_84 : memref<1x16x1024xf32, #tpu.memory_space<vmem>> -> memref<16x1024xf32, #tpu.memory_space<vmem>>
    %dma_wait3A_86 = arith.constant 0 : i32
    %dma_wait3A_87 = arith.constant 0 : i32
    %dma_wait3A_88 = tpu.memref_slice %arg3[%dma_wait3A_86, %dma_wait3A_87] : memref<100000x1024xf32, #tpu.memory_space<hbm>> -> memref<16x1024xf32, #tpu.memory_space<hbm>>
    %dma_wait3A_89 = arith.constant 0 : i32
    %dma_wait3A_90 = arith.constant 0 : i32
    %dma_wait3A_91 = tpu.memref_slice %arg6[%dma_wait3A_81, %dma_wait3A_89, %dma_wait3A_90] : memref<4x16x1024xf32, #tpu.memory_space<vmem>> -> memref<1x16x1024xf32, #tpu.memory_space<vmem>>
    %dma_wait3A_92 = tpu.memref_squeeze %dma_wait3A_91 : memref<1x16x1024xf32, #tpu.memory_space<vmem>> -> memref<16x1024xf32, #tpu.memory_space<vmem>>
    %dma_wait3A_93 = arith.constant 0 : i32
    %dma_wait3A_94 = arith.constant 0 : i32
    %dma_wait3A_95 = tpu.memref_slice %arg3[%dma_wait3A_93, %dma_wait3A_94] : memref<100000x1024xf32, #tpu.memory_space<hbm>> -> memref<16x1024xf32, #tpu.memory_space<hbm>>
    tpu.wait_dma2 semaphore(%arg8 : memref<!tpu.dma_semaphore, #tpu.memory_space<semaphore_mem>>) src(%dma_wait3A_95 : memref<16x1024xf32, #tpu.memory_space<hbm>>) dst(%dma_wait3A_92 : memref<16x1024xf32, #tpu.memory_space<vmem>>)
    %add3A_96 = arith.constant 16 : i32
    %add3A_97 = arith.addi %mul3A_2, %add3A_96 : i32
    %dma_start3A_98 = arith.constant 1 : i32
    %dma_start3A_99 = arith.constant 0 : i32
    %dma_start3A_100 = arith.constant 0 : i32
    %dma_start3A_101 = tpu.memref_slice %arg6[%dma_start3A_98, %dma_start3A_99, %dma_start3A_100] : memref<4x16x1024xf32, #tpu.memory_space<vmem>> -> memref<1x16x1024xf32, #tpu.memory_space<vmem>>
    %dma_start3A_102 = tpu.memref_squeeze %dma_start3A_101 : memref<1x16x1024xf32, #tpu.memory_space<vmem>> -> memref<16x1024xf32, #tpu.memory_space<vmem>>
    %dma_start3A_103 = arith.constant 0 : i32
    %dma_start3A_104 = tpu.memref_slice %arg4[%add3A_97, %dma_start3A_103] : memref<8192x1024xf32, #tpu.memory_space<hbm>> -> memref<16x1024xf32, #tpu.memory_space<hbm>>
    %dma_start3A_105 = arith.constant 0 : i32
    %dma_start3A_106 = tpu.memref_slice %arg4[%add3A_97, %dma_start3A_105] : memref<8192x1024xf32, #tpu.memory_space<hbm>> -> memref<16x1024xf32, #tpu.memory_space<hbm>>
    %dma_start3A_107 = arith.constant 0 : i32
    %dma_start3A_108 = arith.constant 0 : i32
    %dma_start3A_109 = tpu.memref_slice %arg6[%dma_start3A_98, %dma_start3A_107, %dma_start3A_108] : memref<4x16x1024xf32, #tpu.memory_space<vmem>> -> memref<1x16x1024xf32, #tpu.memory_space<vmem>>
    %dma_start3A_110 = tpu.memref_squeeze %dma_start3A_109 : memref<1x16x1024xf32, #tpu.memory_space<vmem>> -> memref<16x1024xf32, #tpu.memory_space<vmem>>
    tpu.enqueue_dma source(%dma_start3A_110 : memref<16x1024xf32, #tpu.memory_space<vmem>>) target(%dma_start3A_106 : memref<16x1024xf32, #tpu.memory_space<hbm>>) target_semaphore(%arg12 : memref<!tpu.dma_semaphore, #tpu.memory_space<semaphore_mem>>)
    %dma_wait3A_111 = arith.constant 0 : i32
    %dma_wait3A_112 = arith.constant 0 : i32
    %dma_wait3A_113 = arith.constant 0 : i32
    %dma_wait3A_114 = tpu.memref_slice %arg6[%dma_wait3A_111, %dma_wait3A_112, %dma_wait3A_113] : memref<4x16x1024xf32, #tpu.memory_space<vmem>> -> memref<1x16x1024xf32, #tpu.memory_space<vmem>>
    %dma_wait3A_115 = tpu.memref_squeeze %dma_wait3A_114 : memref<1x16x1024xf32, #tpu.memory_space<vmem>> -> memref<16x1024xf32, #tpu.memory_space<vmem>>
    %dma_wait3A_116 = arith.constant 0 : i32
    %dma_wait3A_117 = arith.constant 0 : i32
    %dma_wait3A_118 = tpu.memref_slice %arg4[%dma_wait3A_116, %dma_wait3A_117] : memref<8192x1024xf32, #tpu.memory_space<hbm>> -> memref<16x1024xf32, #tpu.memory_space<hbm>>
    %dma_wait3A_119 = arith.constant 0 : i32
    %dma_wait3A_120 = arith.constant 0 : i32
    %dma_wait3A_121 = tpu.memref_slice %arg4[%dma_wait3A_119, %dma_wait3A_120] : memref<8192x1024xf32, #tpu.memory_space<hbm>> -> memref<16x1024xf32, #tpu.memory_space<hbm>>
    %dma_wait3A_122 = arith.constant 0 : i32
    %dma_wait3A_123 = arith.constant 0 : i32
    %dma_wait3A_124 = tpu.memref_slice %arg6[%dma_wait3A_111, %dma_wait3A_122, %dma_wait3A_123] : memref<4x16x1024xf32, #tpu.memory_space<vmem>> -> memref<1x16x1024xf32, #tpu.memory_space<vmem>>
    %dma_wait3A_125 = tpu.memref_squeeze %dma_wait3A_124 : memref<1x16x1024xf32, #tpu.memory_space<vmem>> -> memref<16x1024xf32, #tpu.memory_space<vmem>>
    tpu.wait_dma2 semaphore(%arg11 : memref<!tpu.dma_semaphore, #tpu.memory_space<semaphore_mem>>) src(%dma_wait3A_125 : memref<16x1024xf32, #tpu.memory_space<vmem>>) dst(%dma_wait3A_121 : memref<16x1024xf32, #tpu.memory_space<hbm>>)
    %dma_start3A_126 = arith.constant 4 : i32
    %dma_start3A_127 = arith.constant 0 : i32
    %dma_start3A_128 = arith.constant 0 : i32
    %dma_start3A_129 = arith.constant 0 : i32
    %dma_start3A_130 = tpu.memref_slice %arg6[%dma_start3A_127, %dma_start3A_128, %dma_start3A_129] : memref<4x16x1024xf32, #tpu.memory_space<vmem>> -> memref<1x16x1024xf32, #tpu.memory_space<vmem>>
    %dma_start3A_131 = tpu.memref_squeeze %dma_start3A_130 : memref<1x16x1024xf32, #tpu.memory_space<vmem>> -> memref<16x1024xf32, #tpu.memory_space<vmem>>
    %dma_start3A_132 = arith.constant 0 : i32
    %dma_start3A_133 = tpu.memref_slice %arg5[%dma_start3A_126, %dma_start3A_132] : memref<16x16xi32, #tpu.memory_space<vmem>> -> memref<1x16xi32, #tpu.memory_space<vmem>>
    %dma_start3A_134 = tpu.memref_squeeze %dma_start3A_133 : memref<1x16xi32, #tpu.memory_space<vmem>> -> memref<16xi32, #tpu.memory_space<vmem>>
    %dma_start3A_135 = arith.constant 0 : i32
    %dma_start3A_136 = arith.constant 0 : i32
    %dma_start3A_137 = tpu.memref_slice %arg3[%dma_start3A_135, %dma_start3A_136] : memref<100000x1024xf32, #tpu.memory_space<hbm>> -> memref<100000x1024xf32, #tpu.memory_space<hbm>>
    tpu.enqueue_indirect_dma source(%dma_start3A_137 : memref<100000x1024xf32, #tpu.memory_space<hbm>>) target(%dma_start3A_131 : memref<16x1024xf32, #tpu.memory_space<vmem>>) offsets(%dma_start3A_134 : memref<16xi32, #tpu.memory_space<vmem>>) semaphore(%arg7 : memref<!tpu.dma_semaphore, #tpu.memory_space<semaphore_mem>>)
    %dma_wait3A_138 = arith.constant 2 : i32
    %dma_wait3A_139 = arith.constant 0 : i32
    %dma_wait3A_140 = arith.constant 0 : i32
    %dma_wait3A_141 = tpu.memref_slice %arg6[%dma_wait3A_138, %dma_wait3A_139, %dma_wait3A_140] : memref<4x16x1024xf32, #tpu.memory_space<vmem>> -> memref<1x16x1024xf32, #tpu.memory_space<vmem>>
    %dma_wait3A_142 = tpu.memref_squeeze %dma_wait3A_141 : memref<1x16x1024xf32, #tpu.memory_space<vmem>> -> memref<16x1024xf32, #tpu.memory_space<vmem>>
    %dma_wait3A_143 = arith.constant 0 : i32
    %dma_wait3A_144 = arith.constant 0 : i32
    %dma_wait3A_145 = tpu.memref_slice %arg3[%dma_wait3A_143, %dma_wait3A_144] : memref<100000x1024xf32, #tpu.memory_space<hbm>> -> memref<16x1024xf32, #tpu.memory_space<hbm>>
    %dma_wait3A_146 = arith.constant 0 : i32
    %dma_wait3A_147 = arith.constant 0 : i32
    %dma_wait3A_148 = tpu.memref_slice %arg6[%dma_wait3A_138, %dma_wait3A_146, %dma_wait3A_147] : memref<4x16x1024xf32, #tpu.memory_space<vmem>> -> memref<1x16x1024xf32, #tpu.memory_space<vmem>>
    %dma_wait3A_149 = tpu.memref_squeeze %dma_wait3A_148 : memref<1x16x1024xf32, #tpu.memory_space<vmem>> -> memref<16x1024xf32, #tpu.memory_space<vmem>>
    %dma_wait3A_150 = arith.constant 0 : i32
    %dma_wait3A_151 = arith.constant 0 : i32
    %dma_wait3A_152 = tpu.memref_slice %arg3[%dma_wait3A_150, %dma_wait3A_151] : memref<100000x1024xf32, #tpu.memory_space<hbm>> -> memref<16x1024xf32, #tpu.memory_space<hbm>>
    tpu.wait_dma2 semaphore(%arg9 : memref<!tpu.dma_semaphore, #tpu.memory_space<semaphore_mem>>) src(%dma_wait3A_152 : memref<16x1024xf32, #tpu.memory_space<hbm>>) dst(%dma_wait3A_149 : memref<16x1024xf32, #tpu.memory_space<vmem>>)
    %add3A_153 = arith.constant 32 : i32
    %add3A_154 = arith.addi %mul3A_2, %add3A_153 : i32
    %dma_start3A_155 = arith.constant 2 : i32
    %dma_start3A_156 = arith.constant 0 : i32
    %dma_start3A_157 = arith.constant 0 : i32
    %dma_start3A_158 = tpu.memref_slice %arg6[%dma_start3A_155, %dma_start3A_156, %dma_start3A_157] : memref<4x16x1024xf32, #tpu.memory_space<vmem>> -> memref<1x16x1024xf32, #tpu.memory_space<vmem>>
    %dma_start3A_159 = tpu.memref_squeeze %dma_start3A_158 : memref<1x16x1024xf32, #tpu.memory_space<vmem>> -> memref<16x1024xf32, #tpu.memory_space<vmem>>
    %dma_start3A_160 = arith.constant 0 : i32
    %dma_start3A_161 = tpu.memref_slice %arg4[%add3A_154, %dma_start3A_160] : memref<8192x1024xf32, #tpu.memory_space<hbm>> -> memref<16x1024xf32, #tpu.memory_space<hbm>>
    %dma_start3A_162 = arith.constant 0 : i32
    %dma_start3A_163 = tpu.memref_slice %arg4[%add3A_154, %dma_start3A_162] : memref<8192x1024xf32, #tpu.memory_space<hbm>> -> memref<16x1024xf32, #tpu.memory_space<hbm>>
    %dma_start3A_164 = arith.constant 0 : i32
    %dma_start3A_165 = arith.constant 0 : i32
    %dma_start3A_166 = tpu.memref_slice %arg6[%dma_start3A_155, %dma_start3A_164, %dma_start3A_165] : memref<4x16x1024xf32, #tpu.memory_space<vmem>> -> memref<1x16x1024xf32, #tpu.memory_space<vmem>>
    %dma_start3A_167 = tpu.memref_squeeze %dma_start3A_166 : memref<1x16x1024xf32, #tpu.memory_space<vmem>> -> memref<16x1024xf32, #tpu.memory_space<vmem>>
    tpu.enqueue_dma source(%dma_start3A_167 : memref<16x1024xf32, #tpu.memory_space<vmem>>) target(%dma_start3A_163 : memref<16x1024xf32, #tpu.memory_space<hbm>>) target_semaphore(%arg13 : memref<!tpu.dma_semaphore, #tpu.memory_space<semaphore_mem>>)
    %dma_wait3A_168 = arith.constant 1 : i32
    %dma_wait3A_169 = arith.constant 0 : i32
    %dma_wait3A_170 = arith.constant 0 : i32
    %dma_wait3A_171 = tpu.memref_slice %arg6[%dma_wait3A_168, %dma_wait3A_169, %dma_wait3A_170] : memref<4x16x1024xf32, #tpu.memory_space<vmem>> -> memref<1x16x1024xf32, #tpu.memory_space<vmem>>
    %dma_wait3A_172 = tpu.memref_squeeze %dma_wait3A_171 : memref<1x16x1024xf32, #tpu.memory_space<vmem>> -> memref<16x1024xf32, #tpu.memory_space<vmem>>
    %dma_wait3A_173 = arith.constant 0 : i32
    %dma_wait3A_174 = arith.constant 0 : i32
    %dma_wait3A_175 = tpu.memref_slice %arg4[%dma_wait3A_173, %dma_wait3A_174] : memref<8192x1024xf32, #tpu.memory_space<hbm>> -> memref<16x1024xf32, #tpu.memory_space<hbm>>
    %dma_wait3A_176 = arith.constant 0 : i32
    %dma_wait3A_177 = arith.constant 0 : i32
    %dma_wait3A_178 = tpu.memref_slice %arg4[%dma_wait3A_176, %dma_wait3A_177] : memref<8192x1024xf32, #tpu.memory_space<hbm>> -> memref<16x1024xf32, #tpu.memory_space<hbm>>
    %dma_wait3A_179 = arith.constant 0 : i32
    %dma_wait3A_180 = arith.constant 0 : i32
    %dma_wait3A_181 = tpu.memref_slice %arg6[%dma_wait3A_168, %dma_wait3A_179, %dma_wait3A_180] : memref<4x16x1024xf32, #tpu.memory_space<vmem>> -> memref<1x16x1024xf32, #tpu.memory_space<vmem>>
    %dma_wait3A_182 = tpu.memref_squeeze %dma_wait3A_181 : memref<1x16x1024xf32, #tpu.memory_space<vmem>> -> memref<16x1024xf32, #tpu.memory_space<vmem>>
    tpu.wait_dma2 semaphore(%arg12 : memref<!tpu.dma_semaphore, #tpu.memory_space<semaphore_mem>>) src(%dma_wait3A_182 : memref<16x1024xf32, #tpu.memory_space<vmem>>) dst(%dma_wait3A_178 : memref<16x1024xf32, #tpu.memory_space<hbm>>)
    %dma_start3A_183 = arith.constant 5 : i32
    %dma_start3A_184 = arith.constant 1 : i32
    %dma_start3A_185 = arith.constant 0 : i32
    %dma_start3A_186 = arith.constant 0 : i32
    %dma_start3A_187 = tpu.memref_slice %arg6[%dma_start3A_184, %dma_start3A_185, %dma_start3A_186] : memref<4x16x1024xf32, #tpu.memory_space<vmem>> -> memref<1x16x1024xf32, #tpu.memory_space<vmem>>
    %dma_start3A_188 = tpu.memref_squeeze %dma_start3A_187 : memref<1x16x1024xf32, #tpu.memory_space<vmem>> -> memref<16x1024xf32, #tpu.memory_space<vmem>>
    %dma_start3A_189 = arith.constant 0 : i32
    %dma_start3A_190 = tpu.memref_slice %arg5[%dma_start3A_183, %dma_start3A_189] : memref<16x16xi32, #tpu.memory_space<vmem>> -> memref<1x16xi32, #tpu.memory_space<vmem>>
    %dma_start3A_191 = tpu.memref_squeeze %dma_start3A_190 : memref<1x16xi32, #tpu.memory_space<vmem>> -> memref<16xi32, #tpu.memory_space<vmem>>
    %dma_start3A_192 = arith.constant 0 : i32
    %dma_start3A_193 = arith.constant 0 : i32
    %dma_start3A_194 = tpu.memref_slice %arg3[%dma_start3A_192, %dma_start3A_193] : memref<100000x1024xf32, #tpu.memory_space<hbm>> -> memref<100000x1024xf32, #tpu.memory_space<hbm>>
    tpu.enqueue_indirect_dma source(%dma_start3A_194 : memref<100000x1024xf32, #tpu.memory_space<hbm>>) target(%dma_start3A_188 : memref<16x1024xf32, #tpu.memory_space<vmem>>) offsets(%dma_start3A_191 : memref<16xi32, #tpu.memory_space<vmem>>) semaphore(%arg8 : memref<!tpu.dma_semaphore, #tpu.memory_space<semaphore_mem>>)
    %dma_wait3A_195 = arith.constant 3 : i32
    %dma_wait3A_196 = arith.constant 0 : i32
    %dma_wait3A_197 = arith.constant 0 : i32
    %dma_wait3A_198 = tpu.memref_slice %arg6[%dma_wait3A_195, %dma_wait3A_196, %dma_wait3A_197] : memref<4x16x1024xf32, #tpu.memory_space<vmem>> -> memref<1x16x1024xf32, #tpu.memory_space<vmem>>
    %dma_wait3A_199 = tpu.memref_squeeze %dma_wait3A_198 : memref<1x16x1024xf32, #tpu.memory_space<vmem>> -> memref<16x1024xf32, #tpu.memory_space<vmem>>
    %dma_wait3A_200 = arith.constant 0 : i32
    %dma_wait3A_201 = arith.constant 0 : i32
    %dma_wait3A_202 = tpu.memref_slice %arg3[%dma_wait3A_200, %dma_wait3A_201] : memref<100000x1024xf32, #tpu.memory_space<hbm>> -> memref<16x1024xf32, #tpu.memory_space<hbm>>
    %dma_wait3A_203 = arith.constant 0 : i32
    %dma_wait3A_204 = arith.constant 0 : i32
    %dma_wait3A_205 = tpu.memref_slice %arg6[%dma_wait3A_195, %dma_wait3A_203, %dma_wait3A_204] : memref<4x16x1024xf32, #tpu.memory_space<vmem>> -> memref<1x16x1024xf32, #tpu.memory_space<vmem>>
    %dma_wait3A_206 = tpu.memref_squeeze %dma_wait3A_205 : memref<1x16x1024xf32, #tpu.memory_space<vmem>> -> memref<16x1024xf32, #tpu.memory_space<vmem>>
    %dma_wait3A_207 = arith.constant 0 : i32
    %dma_wait3A_208 = arith.constant 0 : i32
    %dma_wait3A_209 = tpu.memref_slice %arg3[%dma_wait3A_207, %dma_wait3A_208] : memref<100000x1024xf32, #tpu.memory_space<hbm>> -> memref<16x1024xf32, #tpu.memory_space<hbm>>
    tpu.wait_dma2 semaphore(%arg10 : memref<!tpu.dma_semaphore, #tpu.memory_space<semaphore_mem>>) src(%dma_wait3A_209 : memref<16x1024xf32, #tpu.memory_space<hbm>>) dst(%dma_wait3A_206 : memref<16x1024xf32, #tpu.memory_space<vmem>>)
    %add3A_210 = arith.constant 48 : i32
    %add3A_211 = arith.addi %mul3A_2, %add3A_210 : i32
    %dma_start3A_212 = arith.constant 3 : i32
    %dma_start3A_213 = arith.constant 0 : i32
    %dma_start3A_214 = arith.constant 0 : i32
    %dma_start3A_215 = tpu.memref_slice %arg6[%dma_start3A_212, %dma_start3A_213, %dma_start3A_214] : memref<4x16x1024xf32, #tpu.memory_space<vmem>> -> memref<1x16x1024xf32, #tpu.memory_space<vmem>>
    %dma_start3A_216 = tpu.memref_squeeze %dma_start3A_215 : memref<1x16x1024xf32, #tpu.memory_space<vmem>> -> memref<16x1024xf32, #tpu.memory_space<vmem>>
    %dma_start3A_217 = arith.constant 0 : i32
    %dma_start3A_218 = tpu.memref_slice %arg4[%add3A_211, %dma_start3A_217] : memref<8192x1024xf32, #tpu.memory_space<hbm>> -> memref<16x1024xf32, #tpu.memory_space<hbm>>
    %dma_start3A_219 = arith.constant 0 : i32
    %dma_start3A_220 = tpu.memref_slice %arg4[%add3A_211, %dma_start3A_219] : memref<8192x1024xf32, #tpu.memory_space<hbm>> -> memref<16x1024xf32, #tpu.memory_space<hbm>>
    %dma_start3A_221 = arith.constant 0 : i32
    %dma_start3A_222 = arith.constant 0 : i32
    %dma_start3A_223 = tpu.memref_slice %arg6[%dma_start3A_212, %dma_start3A_221, %dma_start3A_222] : memref<4x16x1024xf32, #tpu.memory_space<vmem>> -> memref<1x16x1024xf32, #tpu.memory_space<vmem>>
    %dma_start3A_224 = tpu.memref_squeeze %dma_start3A_223 : memref<1x16x1024xf32, #tpu.memory_space<vmem>> -> memref<16x1024xf32, #tpu.memory_space<vmem>>
    tpu.enqueue_dma source(%dma_start3A_224 : memref<16x1024xf32, #tpu.memory_space<vmem>>) target(%dma_start3A_220 : memref<16x1024xf32, #tpu.memory_space<hbm>>) target_semaphore(%arg14 : memref<!tpu.dma_semaphore, #tpu.memory_space<semaphore_mem>>)
    %dma_wait3A_225 = arith.constant 2 : i32
    %dma_wait3A_226 = arith.constant 0 : i32
    %dma_wait3A_227 = arith.constant 0 : i32
    %dma_wait3A_228 = tpu.memref_slice %arg6[%dma_wait3A_225, %dma_wait3A_226, %dma_wait3A_227] : memref<4x16x1024xf32, #tpu.memory_space<vmem>> -> memref<1x16x1024xf32, #tpu.memory_space<vmem>>
    %dma_wait3A_229 = tpu.memref_squeeze %dma_wait3A_228 : memref<1x16x1024xf32, #tpu.memory_space<vmem>> -> memref<16x1024xf32, #tpu.memory_space<vmem>>
    %dma_wait3A_230 = arith.constant 0 : i32
    %dma_wait3A_231 = arith.constant 0 : i32
    %dma_wait3A_232 = tpu.memref_slice %arg4[%dma_wait3A_230, %dma_wait3A_231] : memref<8192x1024xf32, #tpu.memory_space<hbm>> -> memref<16x1024xf32, #tpu.memory_space<hbm>>
    %dma_wait3A_233 = arith.constant 0 : i32
    %dma_wait3A_234 = arith.constant 0 : i32
    %dma_wait3A_235 = tpu.memref_slice %arg4[%dma_wait3A_233, %dma_wait3A_234] : memref<8192x1024xf32, #tpu.memory_space<hbm>> -> memref<16x1024xf32, #tpu.memory_space<hbm>>
    %dma_wait3A_236 = arith.constant 0 : i32
    %dma_wait3A_237 = arith.constant 0 : i32
    %dma_wait3A_238 = tpu.memref_slice %arg6[%dma_wait3A_225, %dma_wait3A_236, %dma_wait3A_237] : memref<4x16x1024xf32, #tpu.memory_space<vmem>> -> memref<1x16x1024xf32, #tpu.memory_space<vmem>>
    %dma_wait3A_239 = tpu.memref_squeeze %dma_wait3A_238 : memref<1x16x1024xf32, #tpu.memory_space<vmem>> -> memref<16x1024xf32, #tpu.memory_space<vmem>>
    tpu.wait_dma2 semaphore(%arg13 : memref<!tpu.dma_semaphore, #tpu.memory_space<semaphore_mem>>) src(%dma_wait3A_239 : memref<16x1024xf32, #tpu.memory_space<vmem>>) dst(%dma_wait3A_235 : memref<16x1024xf32, #tpu.memory_space<hbm>>)
    %dma_start3A_240 = arith.constant 6 : i32
    %dma_start3A_241 = arith.constant 2 : i32
    %dma_start3A_242 = arith.constant 0 : i32
    %dma_start3A_243 = arith.constant 0 : i32
    %dma_start3A_244 = tpu.memref_slice %arg6[%dma_start3A_241, %dma_start3A_242, %dma_start3A_243] : memref<4x16x1024xf32, #tpu.memory_space<vmem>> -> memref<1x16x1024xf32, #tpu.memory_space<vmem>>
    %dma_start3A_245 = tpu.memref_squeeze %dma_start3A_244 : memref<1x16x1024xf32, #tpu.memory_space<vmem>> -> memref<16x1024xf32, #tpu.memory_space<vmem>>
    %dma_start3A_246 = arith.constant 0 : i32
    %dma_start3A_247 = tpu.memref_slice %arg5[%dma_start3A_240, %dma_start3A_246] : memref<16x16xi32, #tpu.memory_space<vmem>> -> memref<1x16xi32, #tpu.memory_space<vmem>>
    %dma_start3A_248 = tpu.memref_squeeze %dma_start3A_247 : memref<1x16xi32, #tpu.memory_space<vmem>> -> memref<16xi32, #tpu.memory_space<vmem>>
    %dma_start3A_249 = arith.constant 0 : i32
    %dma_start3A_250 = arith.constant 0 : i32
    %dma_start3A_251 = tpu.memref_slice %arg3[%dma_start3A_249, %dma_start3A_250] : memref<100000x1024xf32, #tpu.memory_space<hbm>> -> memref<100000x1024xf32, #tpu.memory_space<hbm>>
    tpu.enqueue_indirect_dma source(%dma_start3A_251 : memref<100000x1024xf32, #tpu.memory_space<hbm>>) target(%dma_start3A_245 : memref<16x1024xf32, #tpu.memory_space<vmem>>) offsets(%dma_start3A_248 : memref<16xi32, #tpu.memory_space<vmem>>) semaphore(%arg9 : memref<!tpu.dma_semaphore, #tpu.memory_space<semaphore_mem>>)
    %dma_wait3A_252 = arith.constant 0 : i32
    %dma_wait3A_253 = arith.constant 0 : i32
    %dma_wait3A_254 = arith.constant 0 : i32
    %dma_wait3A_255 = tpu.memref_slice %arg6[%dma_wait3A_252, %dma_wait3A_253, %dma_wait3A_254] : memref<4x16x1024xf32, #tpu.memory_space<vmem>> -> memref<1x16x1024xf32, #tpu.memory_space<vmem>>
    %dma_wait3A_256 = tpu.memref_squeeze %dma_wait3A_255 : memref<1x16x1024xf32, #tpu.memory_space<vmem>> -> memref<16x1024xf32, #tpu.memory_space<vmem>>
    %dma_wait3A_257 = arith.constant 0 : i32
    %dma_wait3A_258 = arith.constant 0 : i32
    %dma_wait3A_259 = tpu.memref_slice %arg3[%dma_wait3A_257, %dma_wait3A_258] : memref<100000x1024xf32, #tpu.memory_space<hbm>> -> memref<16x1024xf32, #tpu.memory_space<hbm>>
    %dma_wait3A_260 = arith.constant 0 : i32
    %dma_wait3A_261 = arith.constant 0 : i32
    %dma_wait3A_262 = tpu.memref_slice %arg6[%dma_wait3A_252, %dma_wait3A_260, %dma_wait3A_261] : memref<4x16x1024xf32, #tpu.memory_space<vmem>> -> memref<1x16x1024xf32, #tpu.memory_space<vmem>>
    %dma_wait3A_263 = tpu.memref_squeeze %dma_wait3A_262 : memref<1x16x1024xf32, #tpu.memory_space<vmem>> -> memref<16x1024xf32, #tpu.memory_space<vmem>>
    %dma_wait3A_264 = arith.constant 0 : i32
    %dma_wait3A_265 = arith.constant 0 : i32
    %dma_wait3A_266 = tpu.memref_slice %arg3[%dma_wait3A_264, %dma_wait3A_265] : memref<100000x1024xf32, #tpu.memory_space<hbm>> -> memref<16x1024xf32, #tpu.memory_space<hbm>>
    tpu.wait_dma2 semaphore(%arg7 : memref<!tpu.dma_semaphore, #tpu.memory_space<semaphore_mem>>) src(%dma_wait3A_266 : memref<16x1024xf32, #tpu.memory_space<hbm>>) dst(%dma_wait3A_263 : memref<16x1024xf32, #tpu.memory_space<vmem>>)
    %add3A_267 = arith.constant 64 : i32
    %add3A_268 = arith.addi %mul3A_2, %add3A_267 : i32
    %dma_start3A_269 = arith.constant 0 : i32
    %dma_start3A_270 = arith.constant 0 : i32
    %dma_start3A_271 = arith.constant 0 : i32
    %dma_start3A_272 = tpu.memref_slice %arg6[%dma_start3A_269, %dma_start3A_270, %dma_start3A_271] : memref<4x16x1024xf32, #tpu.memory_space<vmem>> -> memref<1x16x1024xf32, #tpu.memory_space<vmem>>
    %dma_start3A_273 = tpu.memref_squeeze %dma_start3A_272 : memref<1x16x1024xf32, #tpu.memory_space<vmem>> -> memref<16x1024xf32, #tpu.memory_space<vmem>>
    %dma_start3A_274 = arith.constant 0 : i32
    %dma_start3A_275 = tpu.memref_slice %arg4[%add3A_268, %dma_start3A_274] : memref<8192x1024xf32, #tpu.memory_space<hbm>> -> memref<16x1024xf32, #tpu.memory_space<hbm>>
    %dma_start3A_276 = arith.constant 0 : i32
    %dma_start3A_277 = tpu.memref_slice %arg4[%add3A_268, %dma_start3A_276] : memref<8192x1024xf32, #tpu.memory_space<hbm>> -> memref<16x1024xf32, #tpu.memory_space<hbm>>
    %dma_start3A_278 = arith.constant 0 : i32
    %dma_start3A_279 = arith.constant 0 : i32
    %dma_start3A_280 = tpu.memref_slice %arg6[%dma_start3A_269, %dma_start3A_278, %dma_start3A_279] : memref<4x16x1024xf32, #tpu.memory_space<vmem>> -> memref<1x16x1024xf32, #tpu.memory_space<vmem>>
    %dma_start3A_281 = tpu.memref_squeeze %dma_start3A_280 : memref<1x16x1024xf32, #tpu.memory_space<vmem>> -> memref<16x1024xf32, #tpu.memory_space<vmem>>
    tpu.enqueue_dma source(%dma_start3A_281 : memref<16x1024xf32, #tpu.memory_space<vmem>>) target(%dma_start3A_277 : memref<16x1024xf32, #tpu.memory_space<hbm>>) target_semaphore(%arg11 : memref<!tpu.dma_semaphore, #tpu.memory_space<semaphore_mem>>)
    %dma_wait3A_282 = arith.constant 3 : i32
    %dma_wait3A_283 = arith.constant 0 : i32
    %dma_wait3A_284 = arith.constant 0 : i32
    %dma_wait3A_285 = tpu.memref_slice %arg6[%dma_wait3A_282, %dma_wait3A_283, %dma_wait3A_284] : memref<4x16x1024xf32, #tpu.memory_space<vmem>> -> memref<1x16x1024xf32, #tpu.memory_space<vmem>>
    %dma_wait3A_286 = tpu.memref_squeeze %dma_wait3A_285 : memref<1x16x1024xf32, #tpu.memory_space<vmem>> -> memref<16x1024xf32, #tpu.memory_space<vmem>>
    %dma_wait3A_287 = arith.constant 0 : i32
    %dma_wait3A_288 = arith.constant 0 : i32
    %dma_wait3A_289 = tpu.memref_slice %arg4[%dma_wait3A_287, %dma_wait3A_288] : memref<8192x1024xf32, #tpu.memory_space<hbm>> -> memref<16x1024xf32, #tpu.memory_space<hbm>>
    %dma_wait3A_290 = arith.constant 0 : i32
    %dma_wait3A_291 = arith.constant 0 : i32
    %dma_wait3A_292 = tpu.memref_slice %arg4[%dma_wait3A_290, %dma_wait3A_291] : memref<8192x1024xf32, #tpu.memory_space<hbm>> -> memref<16x1024xf32, #tpu.memory_space<hbm>>
    %dma_wait3A_293 = arith.constant 0 : i32
    %dma_wait3A_294 = arith.constant 0 : i32
    %dma_wait3A_295 = tpu.memref_slice %arg6[%dma_wait3A_282, %dma_wait3A_293, %dma_wait3A_294] : memref<4x16x1024xf32, #tpu.memory_space<vmem>> -> memref<1x16x1024xf32, #tpu.memory_space<vmem>>
    %dma_wait3A_296 = tpu.memref_squeeze %dma_wait3A_295 : memref<1x16x1024xf32, #tpu.memory_space<vmem>> -> memref<16x1024xf32, #tpu.memory_space<vmem>>
    tpu.wait_dma2 semaphore(%arg14 : memref<!tpu.dma_semaphore, #tpu.memory_space<semaphore_mem>>) src(%dma_wait3A_296 : memref<16x1024xf32, #tpu.memory_space<vmem>>) dst(%dma_wait3A_292 : memref<16x1024xf32, #tpu.memory_space<hbm>>)
    %dma_start3A_297 = arith.constant 7 : i32
    %dma_start3A_298 = arith.constant 3 : i32
    %dma_start3A_299 = arith.constant 0 : i32
    %dma_start3A_300 = arith.constant 0 : i32
    %dma_start3A_301 = tpu.memref_slice %arg6[%dma_start3A_298, %dma_start3A_299, %dma_start3A_300] : memref<4x16x1024xf32, #tpu.memory_space<vmem>> -> memref<1x16x1024xf32, #tpu.memory_space<vmem>>
    %dma_start3A_302 = tpu.memref_squeeze %dma_start3A_301 : memref<1x16x1024xf32, #tpu.memory_space<vmem>> -> memref<16x1024xf32, #tpu.memory_space<vmem>>
    %dma_start3A_303 = arith.constant 0 : i32
    %dma_start3A_304 = tpu.memref_slice %arg5[%dma_start3A_297, %dma_start3A_303] : memref<16x16xi32, #tpu.memory_space<vmem>> -> memref<1x16xi32, #tpu.memory_space<vmem>>
    %dma_start3A_305 = tpu.memref_squeeze %dma_start3A_304 : memref<1x16xi32, #tpu.memory_space<vmem>> -> memref<16xi32, #tpu.memory_space<vmem>>
    %dma_start3A_306 = arith.constant 0 : i32
    %dma_start3A_307 = arith.constant 0 : i32
    %dma_start3A_308 = tpu.memref_slice %arg3[%dma_start3A_306, %dma_start3A_307] : memref<100000x1024xf32, #tpu.memory_space<hbm>> -> memref<100000x1024xf32, #tpu.memory_space<hbm>>
    tpu.enqueue_indirect_dma source(%dma_start3A_308 : memref<100000x1024xf32, #tpu.memory_space<hbm>>) target(%dma_start3A_302 : memref<16x1024xf32, #tpu.memory_space<vmem>>) offsets(%dma_start3A_305 : memref<16xi32, #tpu.memory_space<vmem>>) semaphore(%arg10 : memref<!tpu.dma_semaphore, #tpu.memory_space<semaphore_mem>>)
    %dma_wait3A_309 = arith.constant 1 : i32
    %dma_wait3A_310 = arith.constant 0 : i32
    %dma_wait3A_311 = arith.constant 0 : i32
    %dma_wait3A_312 = tpu.memref_slice %arg6[%dma_wait3A_309, %dma_wait3A_310, %dma_wait3A_311] : memref<4x16x1024xf32, #tpu.memory_space<vmem>> -> memref<1x16x1024xf32, #tpu.memory_space<vmem>>
    %dma_wait3A_313 = tpu.memref_squeeze %dma_wait3A_312 : memref<1x16x1024xf32, #tpu.memory_space<vmem>> -> memref<16x1024xf32, #tpu.memory_space<vmem>>
    %dma_wait3A_314 = arith.constant 0 : i32
    %dma_wait3A_315 = arith.constant 0 : i32
    %dma_wait3A_316 = tpu.memref_slice %arg3[%dma_wait3A_314, %dma_wait3A_315] : memref<100000x1024xf32, #tpu.memory_space<hbm>> -> memref<16x1024xf32, #tpu.memory_space<hbm>>
    %dma_wait3A_317 = arith.constant 0 : i32
    %dma_wait3A_318 = arith.constant 0 : i32
    %dma_wait3A_319 = tpu.memref_slice %arg6[%dma_wait3A_309, %dma_wait3A_317, %dma_wait3A_318] : memref<4x16x1024xf32, #tpu.memory_space<vmem>> -> memref<1x16x1024xf32, #tpu.memory_space<vmem>>
    %dma_wait3A_320 = tpu.memref_squeeze %dma_wait3A_319 : memref<1x16x1024xf32, #tpu.memory_space<vmem>> -> memref<16x1024xf32, #tpu.memory_space<vmem>>
    %dma_wait3A_321 = arith.constant 0 : i32
    %dma_wait3A_322 = arith.constant 0 : i32
    %dma_wait3A_323 = tpu.memref_slice %arg3[%dma_wait3A_321, %dma_wait3A_322] : memref<100000x1024xf32, #tpu.memory_space<hbm>> -> memref<16x1024xf32, #tpu.memory_space<hbm>>
    tpu.wait_dma2 semaphore(%arg8 : memref<!tpu.dma_semaphore, #tpu.memory_space<semaphore_mem>>) src(%dma_wait3A_323 : memref<16x1024xf32, #tpu.memory_space<hbm>>) dst(%dma_wait3A_320 : memref<16x1024xf32, #tpu.memory_space<vmem>>)
    %add3A_324 = arith.constant 80 : i32
    %add3A_325 = arith.addi %mul3A_2, %add3A_324 : i32
    %dma_start3A_326 = arith.constant 1 : i32
    %dma_start3A_327 = arith.constant 0 : i32
    %dma_start3A_328 = arith.constant 0 : i32
    %dma_start3A_329 = tpu.memref_slice %arg6[%dma_start3A_326, %dma_start3A_327, %dma_start3A_328] : memref<4x16x1024xf32, #tpu.memory_space<vmem>> -> memref<1x16x1024xf32, #tpu.memory_space<vmem>>
    %dma_start3A_330 = tpu.memref_squeeze %dma_start3A_329 : memref<1x16x1024xf32, #tpu.memory_space<vmem>> -> memref<16x1024xf32, #tpu.memory_space<vmem>>
    %dma_start3A_331 = arith.constant 0 : i32
    %dma_start3A_332 = tpu.memref_slice %arg4[%add3A_325, %dma_start3A_331] : memref<8192x1024xf32, #tpu.memory_space<hbm>> -> memref<16x1024xf32, #tpu.memory_space<hbm>>
    %dma_start3A_333 = arith.constant 0 : i32
    %dma_start3A_334 = tpu.memref_slice %arg4[%add3A_325, %dma_start3A_333] : memref<8192x1024xf32, #tpu.memory_space<hbm>> -> memref<16x1024xf32, #tpu.memory_space<hbm>>
    %dma_start3A_335 = arith.constant 0 : i32
    %dma_start3A_336 = arith.constant 0 : i32
    %dma_start3A_337 = tpu.memref_slice %arg6[%dma_start3A_326, %dma_start3A_335, %dma_start3A_336] : memref<4x16x1024xf32, #tpu.memory_space<vmem>> -> memref<1x16x1024xf32, #tpu.memory_space<vmem>>
    %dma_start3A_338 = tpu.memref_squeeze %dma_start3A_337 : memref<1x16x1024xf32, #tpu.memory_space<vmem>> -> memref<16x1024xf32, #tpu.memory_space<vmem>>
    tpu.enqueue_dma source(%dma_start3A_338 : memref<16x1024xf32, #tpu.memory_space<vmem>>) target(%dma_start3A_334 : memref<16x1024xf32, #tpu.memory_space<hbm>>) target_semaphore(%arg12 : memref<!tpu.dma_semaphore, #tpu.memory_space<semaphore_mem>>)
    %dma_wait3A_339 = arith.constant 0 : i32
    %dma_wait3A_340 = arith.constant 0 : i32
    %dma_wait3A_341 = arith.constant 0 : i32
    %dma_wait3A_342 = tpu.memref_slice %arg6[%dma_wait3A_339, %dma_wait3A_340, %dma_wait3A_341] : memref<4x16x1024xf32, #tpu.memory_space<vmem>> -> memref<1x16x1024xf32, #tpu.memory_space<vmem>>
    %dma_wait3A_343 = tpu.memref_squeeze %dma_wait3A_342 : memref<1x16x1024xf32, #tpu.memory_space<vmem>> -> memref<16x1024xf32, #tpu.memory_space<vmem>>
    %dma_wait3A_344 = arith.constant 0 : i32
    %dma_wait3A_345 = arith.constant 0 : i32
    %dma_wait3A_346 = tpu.memref_slice %arg4[%dma_wait3A_344, %dma_wait3A_345] : memref<8192x1024xf32, #tpu.memory_space<hbm>> -> memref<16x1024xf32, #tpu.memory_space<hbm>>
    %dma_wait3A_347 = arith.constant 0 : i32
    %dma_wait3A_348 = arith.constant 0 : i32
    %dma_wait3A_349 = tpu.memref_slice %arg4[%dma_wait3A_347, %dma_wait3A_348] : memref<8192x1024xf32, #tpu.memory_space<hbm>> -> memref<16x1024xf32, #tpu.memory_space<hbm>>
    %dma_wait3A_350 = arith.constant 0 : i32
    %dma_wait3A_351 = arith.constant 0 : i32
    %dma_wait3A_352 = tpu.memref_slice %arg6[%dma_wait3A_339, %dma_wait3A_350, %dma_wait3A_351] : memref<4x16x1024xf32, #tpu.memory_space<vmem>> -> memref<1x16x1024xf32, #tpu.memory_space<vmem>>
    %dma_wait3A_353 = tpu.memref_squeeze %dma_wait3A_352 : memref<1x16x1024xf32, #tpu.memory_space<vmem>> -> memref<16x1024xf32, #tpu.memory_space<vmem>>
    tpu.wait_dma2 semaphore(%arg11 : memref<!tpu.dma_semaphore, #tpu.memory_space<semaphore_mem>>) src(%dma_wait3A_353 : memref<16x1024xf32, #tpu.memory_space<vmem>>) dst(%dma_wait3A_349 : memref<16x1024xf32, #tpu.memory_space<hbm>>)
    %dma_start3A_354 = arith.constant 8 : i32
    %dma_start3A_355 = arith.constant 0 : i32
    %dma_start3A_356 = arith.constant 0 : i32
    %dma_start3A_357 = arith.constant 0 : i32
    %dma_start3A_358 = tpu.memref_slice %arg6[%dma_start3A_355, %dma_start3A_356, %dma_start3A_357] : memref<4x16x1024xf32, #tpu.memory_space<vmem>> -> memref<1x16x1024xf32, #tpu.memory_space<vmem>>
    %dma_start3A_359 = tpu.memref_squeeze %dma_start3A_358 : memref<1x16x1024xf32, #tpu.memory_space<vmem>> -> memref<16x1024xf32, #tpu.memory_space<vmem>>
    %dma_start3A_360 = arith.constant 0 : i32
    %dma_start3A_361 = tpu.memref_slice %arg5[%dma_start3A_354, %dma_start3A_360] : memref<16x16xi32, #tpu.memory_space<vmem>> -> memref<1x16xi32, #tpu.memory_space<vmem>>
    %dma_start3A_362 = tpu.memref_squeeze %dma_start3A_361 : memref<1x16xi32, #tpu.memory_space<vmem>> -> memref<16xi32, #tpu.memory_space<vmem>>
    %dma_start3A_363 = arith.constant 0 : i32
    %dma_start3A_364 = arith.constant 0 : i32
    %dma_start3A_365 = tpu.memref_slice %arg3[%dma_start3A_363, %dma_start3A_364] : memref<100000x1024xf32, #tpu.memory_space<hbm>> -> memref<100000x1024xf32, #tpu.memory_space<hbm>>
    tpu.enqueue_indirect_dma source(%dma_start3A_365 : memref<100000x1024xf32, #tpu.memory_space<hbm>>) target(%dma_start3A_359 : memref<16x1024xf32, #tpu.memory_space<vmem>>) offsets(%dma_start3A_362 : memref<16xi32, #tpu.memory_space<vmem>>) semaphore(%arg7 : memref<!tpu.dma_semaphore, #tpu.memory_space<semaphore_mem>>)
    %dma_wait3A_366 = arith.constant 2 : i32
    %dma_wait3A_367 = arith.constant 0 : i32
    %dma_wait3A_368 = arith.constant 0 : i32
    %dma_wait3A_369 = tpu.memref_slice %arg6[%dma_wait3A_366, %dma_wait3A_367, %dma_wait3A_368] : memref<4x16x1024xf32, #tpu.memory_space<vmem>> -> memref<1x16x1024xf32, #tpu.memory_space<vmem>>
    %dma_wait3A_370 = tpu.memref_squeeze %dma_wait3A_369 : memref<1x16x1024xf32, #tpu.memory_space<vmem>> -> memref<16x1024xf32, #tpu.memory_space<vmem>>
    %dma_wait3A_371 = arith.constant 0 : i32
    %dma_wait3A_372 = arith.constant 0 : i32
    %dma_wait3A_373 = tpu.memref_slice %arg3[%dma_wait3A_371, %dma_wait3A_372] : memref<100000x1024xf32, #tpu.memory_space<hbm>> -> memref<16x1024xf32, #tpu.memory_space<hbm>>
    %dma_wait3A_374 = arith.constant 0 : i32
    %dma_wait3A_375 = arith.constant 0 : i32
    %dma_wait3A_376 = tpu.memref_slice %arg6[%dma_wait3A_366, %dma_wait3A_374, %dma_wait3A_375] : memref<4x16x1024xf32, #tpu.memory_space<vmem>> -> memref<1x16x1024xf32, #tpu.memory_space<vmem>>
    %dma_wait3A_377 = tpu.memref_squeeze %dma_wait3A_376 : memref<1x16x1024xf32, #tpu.memory_space<vmem>> -> memref<16x1024xf32, #tpu.memory_space<vmem>>
    %dma_wait3A_378 = arith.constant 0 : i32
    %dma_wait3A_379 = arith.constant 0 : i32
    %dma_wait3A_380 = tpu.memref_slice %arg3[%dma_wait3A_378, %dma_wait3A_379] : memref<100000x1024xf32, #tpu.memory_space<hbm>> -> memref<16x1024xf32, #tpu.memory_space<hbm>>
    tpu.wait_dma2 semaphore(%arg9 : memref<!tpu.dma_semaphore, #tpu.memory_space<semaphore_mem>>) src(%dma_wait3A_380 : memref<16x1024xf32, #tpu.memory_space<hbm>>) dst(%dma_wait3A_377 : memref<16x1024xf32, #tpu.memory_space<vmem>>)
    %add3A_381 = arith.constant 96 : i32
    %add3A_382 = arith.addi %mul3A_2, %add3A_381 : i32
    %dma_start3A_383 = arith.constant 2 : i32
    %dma_start3A_384 = arith.constant 0 : i32
    %dma_start3A_385 = arith.constant 0 : i32
    %dma_start3A_386 = tpu.memref_slice %arg6[%dma_start3A_383, %dma_start3A_384, %dma_start3A_385] : memref<4x16x1024xf32, #tpu.memory_space<vmem>> -> memref<1x16x1024xf32, #tpu.memory_space<vmem>>
    %dma_start3A_387 = tpu.memref_squeeze %dma_start3A_386 : memref<1x16x1024xf32, #tpu.memory_space<vmem>> -> memref<16x1024xf32, #tpu.memory_space<vmem>>
    %dma_start3A_388 = arith.constant 0 : i32
    %dma_start3A_389 = tpu.memref_slice %arg4[%add3A_382, %dma_start3A_388] : memref<8192x1024xf32, #tpu.memory_space<hbm>> -> memref<16x1024xf32, #tpu.memory_space<hbm>>
    %dma_start3A_390 = arith.constant 0 : i32
    %dma_start3A_391 = tpu.memref_slice %arg4[%add3A_382, %dma_start3A_390] : memref<8192x1024xf32, #tpu.memory_space<hbm>> -> memref<16x1024xf32, #tpu.memory_space<hbm>>
    %dma_start3A_392 = arith.constant 0 : i32
    %dma_start3A_393 = arith.constant 0 : i32
    %dma_start3A_394 = tpu.memref_slice %arg6[%dma_start3A_383, %dma_start3A_392, %dma_start3A_393] : memref<4x16x1024xf32, #tpu.memory_space<vmem>> -> memref<1x16x1024xf32, #tpu.memory_space<vmem>>
    %dma_start3A_395 = tpu.memref_squeeze %dma_start3A_394 : memref<1x16x1024xf32, #tpu.memory_space<vmem>> -> memref<16x1024xf32, #tpu.memory_space<vmem>>
    tpu.enqueue_dma source(%dma_start3A_395 : memref<16x1024xf32, #tpu.memory_space<vmem>>) target(%dma_start3A_391 : memref<16x1024xf32, #tpu.memory_space<hbm>>) target_semaphore(%arg13 : memref<!tpu.dma_semaphore, #tpu.memory_space<semaphore_mem>>)
    %dma_wait3A_396 = arith.constant 1 : i32
    %dma_wait3A_397 = arith.constant 0 : i32
    %dma_wait3A_398 = arith.constant 0 : i32
    %dma_wait3A_399 = tpu.memref_slice %arg6[%dma_wait3A_396, %dma_wait3A_397, %dma_wait3A_398] : memref<4x16x1024xf32, #tpu.memory_space<vmem>> -> memref<1x16x1024xf32, #tpu.memory_space<vmem>>
    %dma_wait3A_400 = tpu.memref_squeeze %dma_wait3A_399 : memref<1x16x1024xf32, #tpu.memory_space<vmem>> -> memref<16x1024xf32, #tpu.memory_space<vmem>>
    %dma_wait3A_401 = arith.constant 0 : i32
    %dma_wait3A_402 = arith.constant 0 : i32
    %dma_wait3A_403 = tpu.memref_slice %arg4[%dma_wait3A_401, %dma_wait3A_402] : memref<8192x1024xf32, #tpu.memory_space<hbm>> -> memref<16x1024xf32, #tpu.memory_space<hbm>>
    %dma_wait3A_404 = arith.constant 0 : i32
    %dma_wait3A_405 = arith.constant 0 : i32
    %dma_wait3A_406 = tpu.memref_slice %arg4[%dma_wait3A_404, %dma_wait3A_405] : memref<8192x1024xf32, #tpu.memory_space<hbm>> -> memref<16x1024xf32, #tpu.memory_space<hbm>>
    %dma_wait3A_407 = arith.constant 0 : i32
    %dma_wait3A_408 = arith.constant 0 : i32
    %dma_wait3A_409 = tpu.memref_slice %arg6[%dma_wait3A_396, %dma_wait3A_407, %dma_wait3A_408] : memref<4x16x1024xf32, #tpu.memory_space<vmem>> -> memref<1x16x1024xf32, #tpu.memory_space<vmem>>
    %dma_wait3A_410 = tpu.memref_squeeze %dma_wait3A_409 : memref<1x16x1024xf32, #tpu.memory_space<vmem>> -> memref<16x1024xf32, #tpu.memory_space<vmem>>
    tpu.wait_dma2 semaphore(%arg12 : memref<!tpu.dma_semaphore, #tpu.memory_space<semaphore_mem>>) src(%dma_wait3A_410 : memref<16x1024xf32, #tpu.memory_space<vmem>>) dst(%dma_wait3A_406 : memref<16x1024xf32, #tpu.memory_space<hbm>>)
    %dma_start3A_411 = arith.constant 9 : i32
    %dma_start3A_412 = arith.constant 1 : i32
    %dma_start3A_413 = arith.constant 0 : i32
    %dma_start3A_414 = arith.constant 0 : i32
    %dma_start3A_415 = tpu.memref_slice %arg6[%dma_start3A_412, %dma_start3A_413, %dma_start3A_414] : memref<4x16x1024xf32, #tpu.memory_space<vmem>> -> memref<1x16x1024xf32, #tpu.memory_space<vmem>>
    %dma_start3A_416 = tpu.memref_squeeze %dma_start3A_415 : memref<1x16x1024xf32, #tpu.memory_space<vmem>> -> memref<16x1024xf32, #tpu.memory_space<vmem>>
    %dma_start3A_417 = arith.constant 0 : i32
    %dma_start3A_418 = tpu.memref_slice %arg5[%dma_start3A_411, %dma_start3A_417] : memref<16x16xi32, #tpu.memory_space<vmem>> -> memref<1x16xi32, #tpu.memory_space<vmem>>
    %dma_start3A_419 = tpu.memref_squeeze %dma_start3A_418 : memref<1x16xi32, #tpu.memory_space<vmem>> -> memref<16xi32, #tpu.memory_space<vmem>>
    %dma_start3A_420 = arith.constant 0 : i32
    %dma_start3A_421 = arith.constant 0 : i32
    %dma_start3A_422 = tpu.memref_slice %arg3[%dma_start3A_420, %dma_start3A_421] : memref<100000x1024xf32, #tpu.memory_space<hbm>> -> memref<100000x1024xf32, #tpu.memory_space<hbm>>
    tpu.enqueue_indirect_dma source(%dma_start3A_422 : memref<100000x1024xf32, #tpu.memory_space<hbm>>) target(%dma_start3A_416 : memref<16x1024xf32, #tpu.memory_space<vmem>>) offsets(%dma_start3A_419 : memref<16xi32, #tpu.memory_space<vmem>>) semaphore(%arg8 : memref<!tpu.dma_semaphore, #tpu.memory_space<semaphore_mem>>)
    %dma_wait3A_423 = arith.constant 3 : i32
    %dma_wait3A_424 = arith.constant 0 : i32
    %dma_wait3A_425 = arith.constant 0 : i32
    %dma_wait3A_426 = tpu.memref_slice %arg6[%dma_wait3A_423, %dma_wait3A_424, %dma_wait3A_425] : memref<4x16x1024xf32, #tpu.memory_space<vmem>> -> memref<1x16x1024xf32, #tpu.memory_space<vmem>>
    %dma_wait3A_427 = tpu.memref_squeeze %dma_wait3A_426 : memref<1x16x1024xf32, #tpu.memory_space<vmem>> -> memref<16x1024xf32, #tpu.memory_space<vmem>>
    %dma_wait3A_428 = arith.constant 0 : i32
    %dma_wait3A_429 = arith.constant 0 : i32
    %dma_wait3A_430 = tpu.memref_slice %arg3[%dma_wait3A_428, %dma_wait3A_429] : memref<100000x1024xf32, #tpu.memory_space<hbm>> -> memref<16x1024xf32, #tpu.memory_space<hbm>>
    %dma_wait3A_431 = arith.constant 0 : i32
    %dma_wait3A_432 = arith.constant 0 : i32
    %dma_wait3A_433 = tpu.memref_slice %arg6[%dma_wait3A_423, %dma_wait3A_431, %dma_wait3A_432] : memref<4x16x1024xf32, #tpu.memory_space<vmem>> -> memref<1x16x1024xf32, #tpu.memory_space<vmem>>
    %dma_wait3A_434 = tpu.memref_squeeze %dma_wait3A_433 : memref<1x16x1024xf32, #tpu.memory_space<vmem>> -> memref<16x1024xf32, #tpu.memory_space<vmem>>
    %dma_wait3A_435 = arith.constant 0 : i32
    %dma_wait3A_436 = arith.constant 0 : i32
    %dma_wait3A_437 = tpu.memref_slice %arg3[%dma_wait3A_435, %dma_wait3A_436] : memref<100000x1024xf32, #tpu.memory_space<hbm>> -> memref<16x1024xf32, #tpu.memory_space<hbm>>
    tpu.wait_dma2 semaphore(%arg10 : memref<!tpu.dma_semaphore, #tpu.memory_space<semaphore_mem>>) src(%dma_wait3A_437 : memref<16x1024xf32, #tpu.memory_space<hbm>>) dst(%dma_wait3A_434 : memref<16x1024xf32, #tpu.memory_space<vmem>>)
    %add3A_438 = arith.constant 112 : i32
    %add3A_439 = arith.addi %mul3A_2, %add3A_438 : i32
    %dma_start3A_440 = arith.constant 3 : i32
    %dma_start3A_441 = arith.constant 0 : i32
    %dma_start3A_442 = arith.constant 0 : i32
    %dma_start3A_443 = tpu.memref_slice %arg6[%dma_start3A_440, %dma_start3A_441, %dma_start3A_442] : memref<4x16x1024xf32, #tpu.memory_space<vmem>> -> memref<1x16x1024xf32, #tpu.memory_space<vmem>>
    %dma_start3A_444 = tpu.memref_squeeze %dma_start3A_443 : memref<1x16x1024xf32, #tpu.memory_space<vmem>> -> memref<16x1024xf32, #tpu.memory_space<vmem>>
    %dma_start3A_445 = arith.constant 0 : i32
    %dma_start3A_446 = tpu.memref_slice %arg4[%add3A_439, %dma_start3A_445] : memref<8192x1024xf32, #tpu.memory_space<hbm>> -> memref<16x1024xf32, #tpu.memory_space<hbm>>
    %dma_start3A_447 = arith.constant 0 : i32
    %dma_start3A_448 = tpu.memref_slice %arg4[%add3A_439, %dma_start3A_447] : memref<8192x1024xf32, #tpu.memory_space<hbm>> -> memref<16x1024xf32, #tpu.memory_space<hbm>>
    %dma_start3A_449 = arith.constant 0 : i32
    %dma_start3A_450 = arith.constant 0 : i32
    %dma_start3A_451 = tpu.memref_slice %arg6[%dma_start3A_440, %dma_start3A_449, %dma_start3A_450] : memref<4x16x1024xf32, #tpu.memory_space<vmem>> -> memref<1x16x1024xf32, #tpu.memory_space<vmem>>
    %dma_start3A_452 = tpu.memref_squeeze %dma_start3A_451 : memref<1x16x1024xf32, #tpu.memory_space<vmem>> -> memref<16x1024xf32, #tpu.memory_space<vmem>>
    tpu.enqueue_dma source(%dma_start3A_452 : memref<16x1024xf32, #tpu.memory_space<vmem>>) target(%dma_start3A_448 : memref<16x1024xf32, #tpu.memory_space<hbm>>) target_semaphore(%arg14 : memref<!tpu.dma_semaphore, #tpu.memory_space<semaphore_mem>>)
    %dma_wait3A_453 = arith.constant 2 : i32
    %dma_wait3A_454 = arith.constant 0 : i32
    %dma_wait3A_455 = arith.constant 0 : i32
    %dma_wait3A_456 = tpu.memref_slice %arg6[%dma_wait3A_453, %dma_wait3A_454, %dma_wait3A_455] : memref<4x16x1024xf32, #tpu.memory_space<vmem>> -> memref<1x16x1024xf32, #tpu.memory_space<vmem>>
    %dma_wait3A_457 = tpu.memref_squeeze %dma_wait3A_456 : memref<1x16x1024xf32, #tpu.memory_space<vmem>> -> memref<16x1024xf32, #tpu.memory_space<vmem>>
    %dma_wait3A_458 = arith.constant 0 : i32
    %dma_wait3A_459 = arith.constant 0 : i32
    %dma_wait3A_460 = tpu.memref_slice %arg4[%dma_wait3A_458, %dma_wait3A_459] : memref<8192x1024xf32, #tpu.memory_space<hbm>> -> memref<16x1024xf32, #tpu.memory_space<hbm>>
    %dma_wait3A_461 = arith.constant 0 : i32
    %dma_wait3A_462 = arith.constant 0 : i32
    %dma_wait3A_463 = tpu.memref_slice %arg4[%dma_wait3A_461, %dma_wait3A_462] : memref<8192x1024xf32, #tpu.memory_space<hbm>> -> memref<16x1024xf32, #tpu.memory_space<hbm>>
    %dma_wait3A_464 = arith.constant 0 : i32
    %dma_wait3A_465 = arith.constant 0 : i32
    %dma_wait3A_466 = tpu.memref_slice %arg6[%dma_wait3A_453, %dma_wait3A_464, %dma_wait3A_465] : memref<4x16x1024xf32, #tpu.memory_space<vmem>> -> memref<1x16x1024xf32, #tpu.memory_space<vmem>>
    %dma_wait3A_467 = tpu.memref_squeeze %dma_wait3A_466 : memref<1x16x1024xf32, #tpu.memory_space<vmem>> -> memref<16x1024xf32, #tpu.memory_space<vmem>>
    tpu.wait_dma2 semaphore(%arg13 : memref<!tpu.dma_semaphore, #tpu.memory_space<semaphore_mem>>) src(%dma_wait3A_467 : memref<16x1024xf32, #tpu.memory_space<vmem>>) dst(%dma_wait3A_463 : memref<16x1024xf32, #tpu.memory_space<hbm>>)
    %dma_start3A_468 = arith.constant 10 : i32
    %dma_start3A_469 = arith.constant 2 : i32
    %dma_start3A_470 = arith.constant 0 : i32
    %dma_start3A_471 = arith.constant 0 : i32
    %dma_start3A_472 = tpu.memref_slice %arg6[%dma_start3A_469, %dma_start3A_470, %dma_start3A_471] : memref<4x16x1024xf32, #tpu.memory_space<vmem>> -> memref<1x16x1024xf32, #tpu.memory_space<vmem>>
    %dma_start3A_473 = tpu.memref_squeeze %dma_start3A_472 : memref<1x16x1024xf32, #tpu.memory_space<vmem>> -> memref<16x1024xf32, #tpu.memory_space<vmem>>
    %dma_start3A_474 = arith.constant 0 : i32
    %dma_start3A_475 = tpu.memref_slice %arg5[%dma_start3A_468, %dma_start3A_474] : memref<16x16xi32, #tpu.memory_space<vmem>> -> memref<1x16xi32, #tpu.memory_space<vmem>>
    %dma_start3A_476 = tpu.memref_squeeze %dma_start3A_475 : memref<1x16xi32, #tpu.memory_space<vmem>> -> memref<16xi32, #tpu.memory_space<vmem>>
    %dma_start3A_477 = arith.constant 0 : i32
    %dma_start3A_478 = arith.constant 0 : i32
    %dma_start3A_479 = tpu.memref_slice %arg3[%dma_start3A_477, %dma_start3A_478] : memref<100000x1024xf32, #tpu.memory_space<hbm>> -> memref<100000x1024xf32, #tpu.memory_space<hbm>>
    tpu.enqueue_indirect_dma source(%dma_start3A_479 : memref<100000x1024xf32, #tpu.memory_space<hbm>>) target(%dma_start3A_473 : memref<16x1024xf32, #tpu.memory_space<vmem>>) offsets(%dma_start3A_476 : memref<16xi32, #tpu.memory_space<vmem>>) semaphore(%arg9 : memref<!tpu.dma_semaphore, #tpu.memory_space<semaphore_mem>>)
    %dma_wait3A_480 = arith.constant 0 : i32
    %dma_wait3A_481 = arith.constant 0 : i32
    %dma_wait3A_482 = arith.constant 0 : i32
    %dma_wait3A_483 = tpu.memref_slice %arg6[%dma_wait3A_480, %dma_wait3A_481, %dma_wait3A_482] : memref<4x16x1024xf32, #tpu.memory_space<vmem>> -> memref<1x16x1024xf32, #tpu.memory_space<vmem>>
    %dma_wait3A_484 = tpu.memref_squeeze %dma_wait3A_483 : memref<1x16x1024xf32, #tpu.memory_space<vmem>> -> memref<16x1024xf32, #tpu.memory_space<vmem>>
    %dma_wait3A_485 = arith.constant 0 : i32
    %dma_wait3A_486 = arith.constant 0 : i32
    %dma_wait3A_487 = tpu.memref_slice %arg3[%dma_wait3A_485, %dma_wait3A_486] : memref<100000x1024xf32, #tpu.memory_space<hbm>> -> memref<16x1024xf32, #tpu.memory_space<hbm>>
    %dma_wait3A_488 = arith.constant 0 : i32
    %dma_wait3A_489 = arith.constant 0 : i32
    %dma_wait3A_490 = tpu.memref_slice %arg6[%dma_wait3A_480, %dma_wait3A_488, %dma_wait3A_489] : memref<4x16x1024xf32, #tpu.memory_space<vmem>> -> memref<1x16x1024xf32, #tpu.memory_space<vmem>>
    %dma_wait3A_491 = tpu.memref_squeeze %dma_wait3A_490 : memref<1x16x1024xf32, #tpu.memory_space<vmem>> -> memref<16x1024xf32, #tpu.memory_space<vmem>>
    %dma_wait3A_492 = arith.constant 0 : i32
    %dma_wait3A_493 = arith.constant 0 : i32
    %dma_wait3A_494 = tpu.memref_slice %arg3[%dma_wait3A_492, %dma_wait3A_493] : memref<100000x1024xf32, #tpu.memory_space<hbm>> -> memref<16x1024xf32, #tpu.memory_space<hbm>>
    tpu.wait_dma2 semaphore(%arg7 : memref<!tpu.dma_semaphore, #tpu.memory_space<semaphore_mem>>) src(%dma_wait3A_494 : memref<16x1024xf32, #tpu.memory_space<hbm>>) dst(%dma_wait3A_491 : memref<16x1024xf32, #tpu.memory_space<vmem>>)
    %add3A_495 = arith.constant 128 : i32
    %add3A_496 = arith.addi %mul3A_2, %add3A_495 : i32
    %dma_start3A_497 = arith.constant 0 : i32
    %dma_start3A_498 = arith.constant 0 : i32
    %dma_start3A_499 = arith.constant 0 : i32
    %dma_start3A_500 = tpu.memref_slice %arg6[%dma_start3A_497, %dma_start3A_498, %dma_start3A_499] : memref<4x16x1024xf32, #tpu.memory_space<vmem>> -> memref<1x16x1024xf32, #tpu.memory_space<vmem>>
    %dma_start3A_501 = tpu.memref_squeeze %dma_start3A_500 : memref<1x16x1024xf32, #tpu.memory_space<vmem>> -> memref<16x1024xf32, #tpu.memory_space<vmem>>
    %dma_start3A_502 = arith.constant 0 : i32
    %dma_start3A_503 = tpu.memref_slice %arg4[%add3A_496, %dma_start3A_502] : memref<8192x1024xf32, #tpu.memory_space<hbm>> -> memref<16x1024xf32, #tpu.memory_space<hbm>>
    %dma_start3A_504 = arith.constant 0 : i32
    %dma_start3A_505 = tpu.memref_slice %arg4[%add3A_496, %dma_start3A_504] : memref<8192x1024xf32, #tpu.memory_space<hbm>> -> memref<16x1024xf32, #tpu.memory_space<hbm>>
    %dma_start3A_506 = arith.constant 0 : i32
    %dma_start3A_507 = arith.constant 0 : i32
    %dma_start3A_508 = tpu.memref_slice %arg6[%dma_start3A_497, %dma_start3A_506, %dma_start3A_507] : memref<4x16x1024xf32, #tpu.memory_space<vmem>> -> memref<1x16x1024xf32, #tpu.memory_space<vmem>>
    %dma_start3A_509 = tpu.memref_squeeze %dma_start3A_508 : memref<1x16x1024xf32, #tpu.memory_space<vmem>> -> memref<16x1024xf32, #tpu.memory_space<vmem>>
    tpu.enqueue_dma source(%dma_start3A_509 : memref<16x1024xf32, #tpu.memory_space<vmem>>) target(%dma_start3A_505 : memref<16x1024xf32, #tpu.memory_space<hbm>>) target_semaphore(%arg11 : memref<!tpu.dma_semaphore, #tpu.memory_space<semaphore_mem>>)
    %dma_wait3A_510 = arith.constant 3 : i32
    %dma_wait3A_511 = arith.constant 0 : i32
    %dma_wait3A_512 = arith.constant 0 : i32
    %dma_wait3A_513 = tpu.memref_slice %arg6[%dma_wait3A_510, %dma_wait3A_511, %dma_wait3A_512] : memref<4x16x1024xf32, #tpu.memory_space<vmem>> -> memref<1x16x1024xf32, #tpu.memory_space<vmem>>
    %dma_wait3A_514 = tpu.memref_squeeze %dma_wait3A_513 : memref<1x16x1024xf32, #tpu.memory_space<vmem>> -> memref<16x1024xf32, #tpu.memory_space<vmem>>
    %dma_wait3A_515 = arith.constant 0 : i32
    %dma_wait3A_516 = arith.constant 0 : i32
    %dma_wait3A_517 = tpu.memref_slice %arg4[%dma_wait3A_515, %dma_wait3A_516] : memref<8192x1024xf32, #tpu.memory_space<hbm>> -> memref<16x1024xf32, #tpu.memory_space<hbm>>
    %dma_wait3A_518 = arith.constant 0 : i32
    %dma_wait3A_519 = arith.constant 0 : i32
    %dma_wait3A_520 = tpu.memref_slice %arg4[%dma_wait3A_518, %dma_wait3A_519] : memref<8192x1024xf32, #tpu.memory_space<hbm>> -> memref<16x1024xf32, #tpu.memory_space<hbm>>
    %dma_wait3A_521 = arith.constant 0 : i32
    %dma_wait3A_522 = arith.constant 0 : i32
    %dma_wait3A_523 = tpu.memref_slice %arg6[%dma_wait3A_510, %dma_wait3A_521, %dma_wait3A_522] : memref<4x16x1024xf32, #tpu.memory_space<vmem>> -> memref<1x16x1024xf32, #tpu.memory_space<vmem>>
    %dma_wait3A_524 = tpu.memref_squeeze %dma_wait3A_523 : memref<1x16x1024xf32, #tpu.memory_space<vmem>> -> memref<16x1024xf32, #tpu.memory_space<vmem>>
    tpu.wait_dma2 semaphore(%arg14 : memref<!tpu.dma_semaphore, #tpu.memory_space<semaphore_mem>>) src(%dma_wait3A_524 : memref<16x1024xf32, #tpu.memory_space<vmem>>) dst(%dma_wait3A_520 : memref<16x1024xf32, #tpu.memory_space<hbm>>)
    %dma_start3A_525 = arith.constant 11 : i32
    %dma_start3A_526 = arith.constant 3 : i32
    %dma_start3A_527 = arith.constant 0 : i32
    %dma_start3A_528 = arith.constant 0 : i32
    %dma_start3A_529 = tpu.memref_slice %arg6[%dma_start3A_526, %dma_start3A_527, %dma_start3A_528] : memref<4x16x1024xf32, #tpu.memory_space<vmem>> -> memref<1x16x1024xf32, #tpu.memory_space<vmem>>
    %dma_start3A_530 = tpu.memref_squeeze %dma_start3A_529 : memref<1x16x1024xf32, #tpu.memory_space<vmem>> -> memref<16x1024xf32, #tpu.memory_space<vmem>>
    %dma_start3A_531 = arith.constant 0 : i32
    %dma_start3A_532 = tpu.memref_slice %arg5[%dma_start3A_525, %dma_start3A_531] : memref<16x16xi32, #tpu.memory_space<vmem>> -> memref<1x16xi32, #tpu.memory_space<vmem>>
    %dma_start3A_533 = tpu.memref_squeeze %dma_start3A_532 : memref<1x16xi32, #tpu.memory_space<vmem>> -> memref<16xi32, #tpu.memory_space<vmem>>
    %dma_start3A_534 = arith.constant 0 : i32
    %dma_start3A_535 = arith.constant 0 : i32
    %dma_start3A_536 = tpu.memref_slice %arg3[%dma_start3A_534, %dma_start3A_535] : memref<100000x1024xf32, #tpu.memory_space<hbm>> -> memref<100000x1024xf32, #tpu.memory_space<hbm>>
    tpu.enqueue_indirect_dma source(%dma_start3A_536 : memref<100000x1024xf32, #tpu.memory_space<hbm>>) target(%dma_start3A_530 : memref<16x1024xf32, #tpu.memory_space<vmem>>) offsets(%dma_start3A_533 : memref<16xi32, #tpu.memory_space<vmem>>) semaphore(%arg10 : memref<!tpu.dma_semaphore, #tpu.memory_space<semaphore_mem>>)
    %dma_wait3A_537 = arith.constant 1 : i32
    %dma_wait3A_538 = arith.constant 0 : i32
    %dma_wait3A_539 = arith.constant 0 : i32
    %dma_wait3A_540 = tpu.memref_slice %arg6[%dma_wait3A_537, %dma_wait3A_538, %dma_wait3A_539] : memref<4x16x1024xf32, #tpu.memory_space<vmem>> -> memref<1x16x1024xf32, #tpu.memory_space<vmem>>
    %dma_wait3A_541 = tpu.memref_squeeze %dma_wait3A_540 : memref<1x16x1024xf32, #tpu.memory_space<vmem>> -> memref<16x1024xf32, #tpu.memory_space<vmem>>
    %dma_wait3A_542 = arith.constant 0 : i32
    %dma_wait3A_543 = arith.constant 0 : i32
    %dma_wait3A_544 = tpu.memref_slice %arg3[%dma_wait3A_542, %dma_wait3A_543] : memref<100000x1024xf32, #tpu.memory_space<hbm>> -> memref<16x1024xf32, #tpu.memory_space<hbm>>
    %dma_wait3A_545 = arith.constant 0 : i32
    %dma_wait3A_546 = arith.constant 0 : i32
    %dma_wait3A_547 = tpu.memref_slice %arg6[%dma_wait3A_537, %dma_wait3A_545, %dma_wait3A_546] : memref<4x16x1024xf32, #tpu.memory_space<vmem>> -> memref<1x16x1024xf32, #tpu.memory_space<vmem>>
    %dma_wait3A_548 = tpu.memref_squeeze %dma_wait3A_547 : memref<1x16x1024xf32, #tpu.memory_space<vmem>> -> memref<16x1024xf32, #tpu.memory_space<vmem>>
    %dma_wait3A_549 = arith.constant 0 : i32
    %dma_wait3A_550 = arith.constant 0 : i32
    %dma_wait3A_551 = tpu.memref_slice %arg3[%dma_wait3A_549, %dma_wait3A_550] : memref<100000x1024xf32, #tpu.memory_space<hbm>> -> memref<16x1024xf32, #tpu.memory_space<hbm>>
    tpu.wait_dma2 semaphore(%arg8 : memref<!tpu.dma_semaphore, #tpu.memory_space<semaphore_mem>>) src(%dma_wait3A_551 : memref<16x1024xf32, #tpu.memory_space<hbm>>) dst(%dma_wait3A_548 : memref<16x1024xf32, #tpu.memory_space<vmem>>)
    %add3A_552 = arith.constant 144 : i32
    %add3A_553 = arith.addi %mul3A_2, %add3A_552 : i32
    %dma_start3A_554 = arith.constant 1 : i32
    %dma_start3A_555 = arith.constant 0 : i32
    %dma_start3A_556 = arith.constant 0 : i32
    %dma_start3A_557 = tpu.memref_slice %arg6[%dma_start3A_554, %dma_start3A_555, %dma_start3A_556] : memref<4x16x1024xf32, #tpu.memory_space<vmem>> -> memref<1x16x1024xf32, #tpu.memory_space<vmem>>
    %dma_start3A_558 = tpu.memref_squeeze %dma_start3A_557 : memref<1x16x1024xf32, #tpu.memory_space<vmem>> -> memref<16x1024xf32, #tpu.memory_space<vmem>>
    %dma_start3A_559 = arith.constant 0 : i32
    %dma_start3A_560 = tpu.memref_slice %arg4[%add3A_553, %dma_start3A_559] : memref<8192x1024xf32, #tpu.memory_space<hbm>> -> memref<16x1024xf32, #tpu.memory_space<hbm>>
    %dma_start3A_561 = arith.constant 0 : i32
    %dma_start3A_562 = tpu.memref_slice %arg4[%add3A_553, %dma_start3A_561] : memref<8192x1024xf32, #tpu.memory_space<hbm>> -> memref<16x1024xf32, #tpu.memory_space<hbm>>
    %dma_start3A_563 = arith.constant 0 : i32
    %dma_start3A_564 = arith.constant 0 : i32
    %dma_start3A_565 = tpu.memref_slice %arg6[%dma_start3A_554, %dma_start3A_563, %dma_start3A_564] : memref<4x16x1024xf32, #tpu.memory_space<vmem>> -> memref<1x16x1024xf32, #tpu.memory_space<vmem>>
    %dma_start3A_566 = tpu.memref_squeeze %dma_start3A_565 : memref<1x16x1024xf32, #tpu.memory_space<vmem>> -> memref<16x1024xf32, #tpu.memory_space<vmem>>
    tpu.enqueue_dma source(%dma_start3A_566 : memref<16x1024xf32, #tpu.memory_space<vmem>>) target(%dma_start3A_562 : memref<16x1024xf32, #tpu.memory_space<hbm>>) target_semaphore(%arg12 : memref<!tpu.dma_semaphore, #tpu.memory_space<semaphore_mem>>)
    %dma_wait3A_567 = arith.constant 0 : i32
    %dma_wait3A_568 = arith.constant 0 : i32
    %dma_wait3A_569 = arith.constant 0 : i32
    %dma_wait3A_570 = tpu.memref_slice %arg6[%dma_wait3A_567, %dma_wait3A_568, %dma_wait3A_569] : memref<4x16x1024xf32, #tpu.memory_space<vmem>> -> memref<1x16x1024xf32, #tpu.memory_space<vmem>>
    %dma_wait3A_571 = tpu.memref_squeeze %dma_wait3A_570 : memref<1x16x1024xf32, #tpu.memory_space<vmem>> -> memref<16x1024xf32, #tpu.memory_space<vmem>>
    %dma_wait3A_572 = arith.constant 0 : i32
    %dma_wait3A_573 = arith.constant 0 : i32
    %dma_wait3A_574 = tpu.memref_slice %arg4[%dma_wait3A_572, %dma_wait3A_573] : memref<8192x1024xf32, #tpu.memory_space<hbm>> -> memref<16x1024xf32, #tpu.memory_space<hbm>>
    %dma_wait3A_575 = arith.constant 0 : i32
    %dma_wait3A_576 = arith.constant 0 : i32
    %dma_wait3A_577 = tpu.memref_slice %arg4[%dma_wait3A_575, %dma_wait3A_576] : memref<8192x1024xf32, #tpu.memory_space<hbm>> -> memref<16x1024xf32, #tpu.memory_space<hbm>>
    %dma_wait3A_578 = arith.constant 0 : i32
    %dma_wait3A_579 = arith.constant 0 : i32
    %dma_wait3A_580 = tpu.memref_slice %arg6[%dma_wait3A_567, %dma_wait3A_578, %dma_wait3A_579] : memref<4x16x1024xf32, #tpu.memory_space<vmem>> -> memref<1x16x1024xf32, #tpu.memory_space<vmem>>
    %dma_wait3A_581 = tpu.memref_squeeze %dma_wait3A_580 : memref<1x16x1024xf32, #tpu.memory_space<vmem>> -> memref<16x1024xf32, #tpu.memory_space<vmem>>
    tpu.wait_dma2 semaphore(%arg11 : memref<!tpu.dma_semaphore, #tpu.memory_space<semaphore_mem>>) src(%dma_wait3A_581 : memref<16x1024xf32, #tpu.memory_space<vmem>>) dst(%dma_wait3A_577 : memref<16x1024xf32, #tpu.memory_space<hbm>>)
    %dma_start3A_582 = arith.constant 12 : i32
    %dma_start3A_583 = arith.constant 0 : i32
    %dma_start3A_584 = arith.constant 0 : i32
    %dma_start3A_585 = arith.constant 0 : i32
    %dma_start3A_586 = tpu.memref_slice %arg6[%dma_start3A_583, %dma_start3A_584, %dma_start3A_585] : memref<4x16x1024xf32, #tpu.memory_space<vmem>> -> memref<1x16x1024xf32, #tpu.memory_space<vmem>>
    %dma_start3A_587 = tpu.memref_squeeze %dma_start3A_586 : memref<1x16x1024xf32, #tpu.memory_space<vmem>> -> memref<16x1024xf32, #tpu.memory_space<vmem>>
    %dma_start3A_588 = arith.constant 0 : i32
    %dma_start3A_589 = tpu.memref_slice %arg5[%dma_start3A_582, %dma_start3A_588] : memref<16x16xi32, #tpu.memory_space<vmem>> -> memref<1x16xi32, #tpu.memory_space<vmem>>
    %dma_start3A_590 = tpu.memref_squeeze %dma_start3A_589 : memref<1x16xi32, #tpu.memory_space<vmem>> -> memref<16xi32, #tpu.memory_space<vmem>>
    %dma_start3A_591 = arith.constant 0 : i32
    %dma_start3A_592 = arith.constant 0 : i32
    %dma_start3A_593 = tpu.memref_slice %arg3[%dma_start3A_591, %dma_start3A_592] : memref<100000x1024xf32, #tpu.memory_space<hbm>> -> memref<100000x1024xf32, #tpu.memory_space<hbm>>
    tpu.enqueue_indirect_dma source(%dma_start3A_593 : memref<100000x1024xf32, #tpu.memory_space<hbm>>) target(%dma_start3A_587 : memref<16x1024xf32, #tpu.memory_space<vmem>>) offsets(%dma_start3A_590 : memref<16xi32, #tpu.memory_space<vmem>>) semaphore(%arg7 : memref<!tpu.dma_semaphore, #tpu.memory_space<semaphore_mem>>)
    %dma_wait3A_594 = arith.constant 2 : i32
    %dma_wait3A_595 = arith.constant 0 : i32
    %dma_wait3A_596 = arith.constant 0 : i32
    %dma_wait3A_597 = tpu.memref_slice %arg6[%dma_wait3A_594, %dma_wait3A_595, %dma_wait3A_596] : memref<4x16x1024xf32, #tpu.memory_space<vmem>> -> memref<1x16x1024xf32, #tpu.memory_space<vmem>>
    %dma_wait3A_598 = tpu.memref_squeeze %dma_wait3A_597 : memref<1x16x1024xf32, #tpu.memory_space<vmem>> -> memref<16x1024xf32, #tpu.memory_space<vmem>>
    %dma_wait3A_599 = arith.constant 0 : i32
    %dma_wait3A_600 = arith.constant 0 : i32
    %dma_wait3A_601 = tpu.memref_slice %arg3[%dma_wait3A_599, %dma_wait3A_600] : memref<100000x1024xf32, #tpu.memory_space<hbm>> -> memref<16x1024xf32, #tpu.memory_space<hbm>>
    %dma_wait3A_602 = arith.constant 0 : i32
    %dma_wait3A_603 = arith.constant 0 : i32
    %dma_wait3A_604 = tpu.memref_slice %arg6[%dma_wait3A_594, %dma_wait3A_602, %dma_wait3A_603] : memref<4x16x1024xf32, #tpu.memory_space<vmem>> -> memref<1x16x1024xf32, #tpu.memory_space<vmem>>
    %dma_wait3A_605 = tpu.memref_squeeze %dma_wait3A_604 : memref<1x16x1024xf32, #tpu.memory_space<vmem>> -> memref<16x1024xf32, #tpu.memory_space<vmem>>
    %dma_wait3A_606 = arith.constant 0 : i32
    %dma_wait3A_607 = arith.constant 0 : i32
    %dma_wait3A_608 = tpu.memref_slice %arg3[%dma_wait3A_606, %dma_wait3A_607] : memref<100000x1024xf32, #tpu.memory_space<hbm>> -> memref<16x1024xf32, #tpu.memory_space<hbm>>
    tpu.wait_dma2 semaphore(%arg9 : memref<!tpu.dma_semaphore, #tpu.memory_space<semaphore_mem>>) src(%dma_wait3A_608 : memref<16x1024xf32, #tpu.memory_space<hbm>>) dst(%dma_wait3A_605 : memref<16x1024xf32, #tpu.memory_space<vmem>>)
    %add3A_609 = arith.constant 160 : i32
    %add3A_610 = arith.addi %mul3A_2, %add3A_609 : i32
    %dma_start3A_611 = arith.constant 2 : i32
    %dma_start3A_612 = arith.constant 0 : i32
    %dma_start3A_613 = arith.constant 0 : i32
    %dma_start3A_614 = tpu.memref_slice %arg6[%dma_start3A_611, %dma_start3A_612, %dma_start3A_613] : memref<4x16x1024xf32, #tpu.memory_space<vmem>> -> memref<1x16x1024xf32, #tpu.memory_space<vmem>>
    %dma_start3A_615 = tpu.memref_squeeze %dma_start3A_614 : memref<1x16x1024xf32, #tpu.memory_space<vmem>> -> memref<16x1024xf32, #tpu.memory_space<vmem>>
    %dma_start3A_616 = arith.constant 0 : i32
    %dma_start3A_617 = tpu.memref_slice %arg4[%add3A_610, %dma_start3A_616] : memref<8192x1024xf32, #tpu.memory_space<hbm>> -> memref<16x1024xf32, #tpu.memory_space<hbm>>
    %dma_start3A_618 = arith.constant 0 : i32
    %dma_start3A_619 = tpu.memref_slice %arg4[%add3A_610, %dma_start3A_618] : memref<8192x1024xf32, #tpu.memory_space<hbm>> -> memref<16x1024xf32, #tpu.memory_space<hbm>>
    %dma_start3A_620 = arith.constant 0 : i32
    %dma_start3A_621 = arith.constant 0 : i32
    %dma_start3A_622 = tpu.memref_slice %arg6[%dma_start3A_611, %dma_start3A_620, %dma_start3A_621] : memref<4x16x1024xf32, #tpu.memory_space<vmem>> -> memref<1x16x1024xf32, #tpu.memory_space<vmem>>
    %dma_start3A_623 = tpu.memref_squeeze %dma_start3A_622 : memref<1x16x1024xf32, #tpu.memory_space<vmem>> -> memref<16x1024xf32, #tpu.memory_space<vmem>>
    tpu.enqueue_dma source(%dma_start3A_623 : memref<16x1024xf32, #tpu.memory_space<vmem>>) target(%dma_start3A_619 : memref<16x1024xf32, #tpu.memory_space<hbm>>) target_semaphore(%arg13 : memref<!tpu.dma_semaphore, #tpu.memory_space<semaphore_mem>>)
    %dma_wait3A_624 = arith.constant 1 : i32
    %dma_wait3A_625 = arith.constant 0 : i32
    %dma_wait3A_626 = arith.constant 0 : i32
    %dma_wait3A_627 = tpu.memref_slice %arg6[%dma_wait3A_624, %dma_wait3A_625, %dma_wait3A_626] : memref<4x16x1024xf32, #tpu.memory_space<vmem>> -> memref<1x16x1024xf32, #tpu.memory_space<vmem>>
    %dma_wait3A_628 = tpu.memref_squeeze %dma_wait3A_627 : memref<1x16x1024xf32, #tpu.memory_space<vmem>> -> memref<16x1024xf32, #tpu.memory_space<vmem>>
    %dma_wait3A_629 = arith.constant 0 : i32
    %dma_wait3A_630 = arith.constant 0 : i32
    %dma_wait3A_631 = tpu.memref_slice %arg4[%dma_wait3A_629, %dma_wait3A_630] : memref<8192x1024xf32, #tpu.memory_space<hbm>> -> memref<16x1024xf32, #tpu.memory_space<hbm>>
    %dma_wait3A_632 = arith.constant 0 : i32
    %dma_wait3A_633 = arith.constant 0 : i32
    %dma_wait3A_634 = tpu.memref_slice %arg4[%dma_wait3A_632, %dma_wait3A_633] : memref<8192x1024xf32, #tpu.memory_space<hbm>> -> memref<16x1024xf32, #tpu.memory_space<hbm>>
    %dma_wait3A_635 = arith.constant 0 : i32
    %dma_wait3A_636 = arith.constant 0 : i32
    %dma_wait3A_637 = tpu.memref_slice %arg6[%dma_wait3A_624, %dma_wait3A_635, %dma_wait3A_636] : memref<4x16x1024xf32, #tpu.memory_space<vmem>> -> memref<1x16x1024xf32, #tpu.memory_space<vmem>>
    %dma_wait3A_638 = tpu.memref_squeeze %dma_wait3A_637 : memref<1x16x1024xf32, #tpu.memory_space<vmem>> -> memref<16x1024xf32, #tpu.memory_space<vmem>>
    tpu.wait_dma2 semaphore(%arg12 : memref<!tpu.dma_semaphore, #tpu.memory_space<semaphore_mem>>) src(%dma_wait3A_638 : memref<16x1024xf32, #tpu.memory_space<vmem>>) dst(%dma_wait3A_634 : memref<16x1024xf32, #tpu.memory_space<hbm>>)
    %dma_start3A_639 = arith.constant 13 : i32
    %dma_start3A_640 = arith.constant 1 : i32
    %dma_start3A_641 = arith.constant 0 : i32
    %dma_start3A_642 = arith.constant 0 : i32
    %dma_start3A_643 = tpu.memref_slice %arg6[%dma_start3A_640, %dma_start3A_641, %dma_start3A_642] : memref<4x16x1024xf32, #tpu.memory_space<vmem>> -> memref<1x16x1024xf32, #tpu.memory_space<vmem>>
    %dma_start3A_644 = tpu.memref_squeeze %dma_start3A_643 : memref<1x16x1024xf32, #tpu.memory_space<vmem>> -> memref<16x1024xf32, #tpu.memory_space<vmem>>
    %dma_start3A_645 = arith.constant 0 : i32
    %dma_start3A_646 = tpu.memref_slice %arg5[%dma_start3A_639, %dma_start3A_645] : memref<16x16xi32, #tpu.memory_space<vmem>> -> memref<1x16xi32, #tpu.memory_space<vmem>>
    %dma_start3A_647 = tpu.memref_squeeze %dma_start3A_646 : memref<1x16xi32, #tpu.memory_space<vmem>> -> memref<16xi32, #tpu.memory_space<vmem>>
    %dma_start3A_648 = arith.constant 0 : i32
    %dma_start3A_649 = arith.constant 0 : i32
    %dma_start3A_650 = tpu.memref_slice %arg3[%dma_start3A_648, %dma_start3A_649] : memref<100000x1024xf32, #tpu.memory_space<hbm>> -> memref<100000x1024xf32, #tpu.memory_space<hbm>>
    tpu.enqueue_indirect_dma source(%dma_start3A_650 : memref<100000x1024xf32, #tpu.memory_space<hbm>>) target(%dma_start3A_644 : memref<16x1024xf32, #tpu.memory_space<vmem>>) offsets(%dma_start3A_647 : memref<16xi32, #tpu.memory_space<vmem>>) semaphore(%arg8 : memref<!tpu.dma_semaphore, #tpu.memory_space<semaphore_mem>>)
    %dma_wait3A_651 = arith.constant 3 : i32
    %dma_wait3A_652 = arith.constant 0 : i32
    %dma_wait3A_653 = arith.constant 0 : i32
    %dma_wait3A_654 = tpu.memref_slice %arg6[%dma_wait3A_651, %dma_wait3A_652, %dma_wait3A_653] : memref<4x16x1024xf32, #tpu.memory_space<vmem>> -> memref<1x16x1024xf32, #tpu.memory_space<vmem>>
    %dma_wait3A_655 = tpu.memref_squeeze %dma_wait3A_654 : memref<1x16x1024xf32, #tpu.memory_space<vmem>> -> memref<16x1024xf32, #tpu.memory_space<vmem>>
    %dma_wait3A_656 = arith.constant 0 : i32
    %dma_wait3A_657 = arith.constant 0 : i32
    %dma_wait3A_658 = tpu.memref_slice %arg3[%dma_wait3A_656, %dma_wait3A_657] : memref<100000x1024xf32, #tpu.memory_space<hbm>> -> memref<16x1024xf32, #tpu.memory_space<hbm>>
    %dma_wait3A_659 = arith.constant 0 : i32
    %dma_wait3A_660 = arith.constant 0 : i32
    %dma_wait3A_661 = tpu.memref_slice %arg6[%dma_wait3A_651, %dma_wait3A_659, %dma_wait3A_660] : memref<4x16x1024xf32, #tpu.memory_space<vmem>> -> memref<1x16x1024xf32, #tpu.memory_space<vmem>>
    %dma_wait3A_662 = tpu.memref_squeeze %dma_wait3A_661 : memref<1x16x1024xf32, #tpu.memory_space<vmem>> -> memref<16x1024xf32, #tpu.memory_space<vmem>>
    %dma_wait3A_663 = arith.constant 0 : i32
    %dma_wait3A_664 = arith.constant 0 : i32
    %dma_wait3A_665 = tpu.memref_slice %arg3[%dma_wait3A_663, %dma_wait3A_664] : memref<100000x1024xf32, #tpu.memory_space<hbm>> -> memref<16x1024xf32, #tpu.memory_space<hbm>>
    tpu.wait_dma2 semaphore(%arg10 : memref<!tpu.dma_semaphore, #tpu.memory_space<semaphore_mem>>) src(%dma_wait3A_665 : memref<16x1024xf32, #tpu.memory_space<hbm>>) dst(%dma_wait3A_662 : memref<16x1024xf32, #tpu.memory_space<vmem>>)
    %add3A_666 = arith.constant 176 : i32
    %add3A_667 = arith.addi %mul3A_2, %add3A_666 : i32
    %dma_start3A_668 = arith.constant 3 : i32
    %dma_start3A_669 = arith.constant 0 : i32
    %dma_start3A_670 = arith.constant 0 : i32
    %dma_start3A_671 = tpu.memref_slice %arg6[%dma_start3A_668, %dma_start3A_669, %dma_start3A_670] : memref<4x16x1024xf32, #tpu.memory_space<vmem>> -> memref<1x16x1024xf32, #tpu.memory_space<vmem>>
    %dma_start3A_672 = tpu.memref_squeeze %dma_start3A_671 : memref<1x16x1024xf32, #tpu.memory_space<vmem>> -> memref<16x1024xf32, #tpu.memory_space<vmem>>
    %dma_start3A_673 = arith.constant 0 : i32
    %dma_start3A_674 = tpu.memref_slice %arg4[%add3A_667, %dma_start3A_673] : memref<8192x1024xf32, #tpu.memory_space<hbm>> -> memref<16x1024xf32, #tpu.memory_space<hbm>>
    %dma_start3A_675 = arith.constant 0 : i32
    %dma_start3A_676 = tpu.memref_slice %arg4[%add3A_667, %dma_start3A_675] : memref<8192x1024xf32, #tpu.memory_space<hbm>> -> memref<16x1024xf32, #tpu.memory_space<hbm>>
    %dma_start3A_677 = arith.constant 0 : i32
    %dma_start3A_678 = arith.constant 0 : i32
    %dma_start3A_679 = tpu.memref_slice %arg6[%dma_start3A_668, %dma_start3A_677, %dma_start3A_678] : memref<4x16x1024xf32, #tpu.memory_space<vmem>> -> memref<1x16x1024xf32, #tpu.memory_space<vmem>>
    %dma_start3A_680 = tpu.memref_squeeze %dma_start3A_679 : memref<1x16x1024xf32, #tpu.memory_space<vmem>> -> memref<16x1024xf32, #tpu.memory_space<vmem>>
    tpu.enqueue_dma source(%dma_start3A_680 : memref<16x1024xf32, #tpu.memory_space<vmem>>) target(%dma_start3A_676 : memref<16x1024xf32, #tpu.memory_space<hbm>>) target_semaphore(%arg14 : memref<!tpu.dma_semaphore, #tpu.memory_space<semaphore_mem>>)
    %dma_wait3A_681 = arith.constant 2 : i32
    %dma_wait3A_682 = arith.constant 0 : i32
    %dma_wait3A_683 = arith.constant 0 : i32
    %dma_wait3A_684 = tpu.memref_slice %arg6[%dma_wait3A_681, %dma_wait3A_682, %dma_wait3A_683] : memref<4x16x1024xf32, #tpu.memory_space<vmem>> -> memref<1x16x1024xf32, #tpu.memory_space<vmem>>
    %dma_wait3A_685 = tpu.memref_squeeze %dma_wait3A_684 : memref<1x16x1024xf32, #tpu.memory_space<vmem>> -> memref<16x1024xf32, #tpu.memory_space<vmem>>
    %dma_wait3A_686 = arith.constant 0 : i32
    %dma_wait3A_687 = arith.constant 0 : i32
    %dma_wait3A_688 = tpu.memref_slice %arg4[%dma_wait3A_686, %dma_wait3A_687] : memref<8192x1024xf32, #tpu.memory_space<hbm>> -> memref<16x1024xf32, #tpu.memory_space<hbm>>
    %dma_wait3A_689 = arith.constant 0 : i32
    %dma_wait3A_690 = arith.constant 0 : i32
    %dma_wait3A_691 = tpu.memref_slice %arg4[%dma_wait3A_689, %dma_wait3A_690] : memref<8192x1024xf32, #tpu.memory_space<hbm>> -> memref<16x1024xf32, #tpu.memory_space<hbm>>
    %dma_wait3A_692 = arith.constant 0 : i32
    %dma_wait3A_693 = arith.constant 0 : i32
    %dma_wait3A_694 = tpu.memref_slice %arg6[%dma_wait3A_681, %dma_wait3A_692, %dma_wait3A_693] : memref<4x16x1024xf32, #tpu.memory_space<vmem>> -> memref<1x16x1024xf32, #tpu.memory_space<vmem>>
    %dma_wait3A_695 = tpu.memref_squeeze %dma_wait3A_694 : memref<1x16x1024xf32, #tpu.memory_space<vmem>> -> memref<16x1024xf32, #tpu.memory_space<vmem>>
    tpu.wait_dma2 semaphore(%arg13 : memref<!tpu.dma_semaphore, #tpu.memory_space<semaphore_mem>>) src(%dma_wait3A_695 : memref<16x1024xf32, #tpu.memory_space<vmem>>) dst(%dma_wait3A_691 : memref<16x1024xf32, #tpu.memory_space<hbm>>)
    %dma_start3A_696 = arith.constant 14 : i32
    %dma_start3A_697 = arith.constant 2 : i32
    %dma_start3A_698 = arith.constant 0 : i32
    %dma_start3A_699 = arith.constant 0 : i32
    %dma_start3A_700 = tpu.memref_slice %arg6[%dma_start3A_697, %dma_start3A_698, %dma_start3A_699] : memref<4x16x1024xf32, #tpu.memory_space<vmem>> -> memref<1x16x1024xf32, #tpu.memory_space<vmem>>
    %dma_start3A_701 = tpu.memref_squeeze %dma_start3A_700 : memref<1x16x1024xf32, #tpu.memory_space<vmem>> -> memref<16x1024xf32, #tpu.memory_space<vmem>>
    %dma_start3A_702 = arith.constant 0 : i32
    %dma_start3A_703 = tpu.memref_slice %arg5[%dma_start3A_696, %dma_start3A_702] : memref<16x16xi32, #tpu.memory_space<vmem>> -> memref<1x16xi32, #tpu.memory_space<vmem>>
    %dma_start3A_704 = tpu.memref_squeeze %dma_start3A_703 : memref<1x16xi32, #tpu.memory_space<vmem>> -> memref<16xi32, #tpu.memory_space<vmem>>
    %dma_start3A_705 = arith.constant 0 : i32
    %dma_start3A_706 = arith.constant 0 : i32
    %dma_start3A_707 = tpu.memref_slice %arg3[%dma_start3A_705, %dma_start3A_706] : memref<100000x1024xf32, #tpu.memory_space<hbm>> -> memref<100000x1024xf32, #tpu.memory_space<hbm>>
    tpu.enqueue_indirect_dma source(%dma_start3A_707 : memref<100000x1024xf32, #tpu.memory_space<hbm>>) target(%dma_start3A_701 : memref<16x1024xf32, #tpu.memory_space<vmem>>) offsets(%dma_start3A_704 : memref<16xi32, #tpu.memory_space<vmem>>) semaphore(%arg9 : memref<!tpu.dma_semaphore, #tpu.memory_space<semaphore_mem>>)
    %dma_wait3A_708 = arith.constant 0 : i32
    %dma_wait3A_709 = arith.constant 0 : i32
    %dma_wait3A_710 = arith.constant 0 : i32
    %dma_wait3A_711 = tpu.memref_slice %arg6[%dma_wait3A_708, %dma_wait3A_709, %dma_wait3A_710] : memref<4x16x1024xf32, #tpu.memory_space<vmem>> -> memref<1x16x1024xf32, #tpu.memory_space<vmem>>
    %dma_wait3A_712 = tpu.memref_squeeze %dma_wait3A_711 : memref<1x16x1024xf32, #tpu.memory_space<vmem>> -> memref<16x1024xf32, #tpu.memory_space<vmem>>
    %dma_wait3A_713 = arith.constant 0 : i32
    %dma_wait3A_714 = arith.constant 0 : i32
    %dma_wait3A_715 = tpu.memref_slice %arg3[%dma_wait3A_713, %dma_wait3A_714] : memref<100000x1024xf32, #tpu.memory_space<hbm>> -> memref<16x1024xf32, #tpu.memory_space<hbm>>
    %dma_wait3A_716 = arith.constant 0 : i32
    %dma_wait3A_717 = arith.constant 0 : i32
    %dma_wait3A_718 = tpu.memref_slice %arg6[%dma_wait3A_708, %dma_wait3A_716, %dma_wait3A_717] : memref<4x16x1024xf32, #tpu.memory_space<vmem>> -> memref<1x16x1024xf32, #tpu.memory_space<vmem>>
    %dma_wait3A_719 = tpu.memref_squeeze %dma_wait3A_718 : memref<1x16x1024xf32, #tpu.memory_space<vmem>> -> memref<16x1024xf32, #tpu.memory_space<vmem>>
    %dma_wait3A_720 = arith.constant 0 : i32
    %dma_wait3A_721 = arith.constant 0 : i32
    %dma_wait3A_722 = tpu.memref_slice %arg3[%dma_wait3A_720, %dma_wait3A_721] : memref<100000x1024xf32, #tpu.memory_space<hbm>> -> memref<16x1024xf32, #tpu.memory_space<hbm>>
    tpu.wait_dma2 semaphore(%arg7 : memref<!tpu.dma_semaphore, #tpu.memory_space<semaphore_mem>>) src(%dma_wait3A_722 : memref<16x1024xf32, #tpu.memory_space<hbm>>) dst(%dma_wait3A_719 : memref<16x1024xf32, #tpu.memory_space<vmem>>)
    %add3A_723 = arith.constant 192 : i32
    %add3A_724 = arith.addi %mul3A_2, %add3A_723 : i32
    %dma_start3A_725 = arith.constant 0 : i32
    %dma_start3A_726 = arith.constant 0 : i32
    %dma_start3A_727 = arith.constant 0 : i32
    %dma_start3A_728 = tpu.memref_slice %arg6[%dma_start3A_725, %dma_start3A_726, %dma_start3A_727] : memref<4x16x1024xf32, #tpu.memory_space<vmem>> -> memref<1x16x1024xf32, #tpu.memory_space<vmem>>
    %dma_start3A_729 = tpu.memref_squeeze %dma_start3A_728 : memref<1x16x1024xf32, #tpu.memory_space<vmem>> -> memref<16x1024xf32, #tpu.memory_space<vmem>>
    %dma_start3A_730 = arith.constant 0 : i32
    %dma_start3A_731 = tpu.memref_slice %arg4[%add3A_724, %dma_start3A_730] : memref<8192x1024xf32, #tpu.memory_space<hbm>> -> memref<16x1024xf32, #tpu.memory_space<hbm>>
    %dma_start3A_732 = arith.constant 0 : i32
    %dma_start3A_733 = tpu.memref_slice %arg4[%add3A_724, %dma_start3A_732] : memref<8192x1024xf32, #tpu.memory_space<hbm>> -> memref<16x1024xf32, #tpu.memory_space<hbm>>
    %dma_start3A_734 = arith.constant 0 : i32
    %dma_start3A_735 = arith.constant 0 : i32
    %dma_start3A_736 = tpu.memref_slice %arg6[%dma_start3A_725, %dma_start3A_734, %dma_start3A_735] : memref<4x16x1024xf32, #tpu.memory_space<vmem>> -> memref<1x16x1024xf32, #tpu.memory_space<vmem>>
    %dma_start3A_737 = tpu.memref_squeeze %dma_start3A_736 : memref<1x16x1024xf32, #tpu.memory_space<vmem>> -> memref<16x1024xf32, #tpu.memory_space<vmem>>
    tpu.enqueue_dma source(%dma_start3A_737 : memref<16x1024xf32, #tpu.memory_space<vmem>>) target(%dma_start3A_733 : memref<16x1024xf32, #tpu.memory_space<hbm>>) target_semaphore(%arg11 : memref<!tpu.dma_semaphore, #tpu.memory_space<semaphore_mem>>)
    %dma_wait3A_738 = arith.constant 3 : i32
    %dma_wait3A_739 = arith.constant 0 : i32
    %dma_wait3A_740 = arith.constant 0 : i32
    %dma_wait3A_741 = tpu.memref_slice %arg6[%dma_wait3A_738, %dma_wait3A_739, %dma_wait3A_740] : memref<4x16x1024xf32, #tpu.memory_space<vmem>> -> memref<1x16x1024xf32, #tpu.memory_space<vmem>>
    %dma_wait3A_742 = tpu.memref_squeeze %dma_wait3A_741 : memref<1x16x1024xf32, #tpu.memory_space<vmem>> -> memref<16x1024xf32, #tpu.memory_space<vmem>>
    %dma_wait3A_743 = arith.constant 0 : i32
    %dma_wait3A_744 = arith.constant 0 : i32
    %dma_wait3A_745 = tpu.memref_slice %arg4[%dma_wait3A_743, %dma_wait3A_744] : memref<8192x1024xf32, #tpu.memory_space<hbm>> -> memref<16x1024xf32, #tpu.memory_space<hbm>>
    %dma_wait3A_746 = arith.constant 0 : i32
    %dma_wait3A_747 = arith.constant 0 : i32
    %dma_wait3A_748 = tpu.memref_slice %arg4[%dma_wait3A_746, %dma_wait3A_747] : memref<8192x1024xf32, #tpu.memory_space<hbm>> -> memref<16x1024xf32, #tpu.memory_space<hbm>>
    %dma_wait3A_749 = arith.constant 0 : i32
    %dma_wait3A_750 = arith.constant 0 : i32
    %dma_wait3A_751 = tpu.memref_slice %arg6[%dma_wait3A_738, %dma_wait3A_749, %dma_wait3A_750] : memref<4x16x1024xf32, #tpu.memory_space<vmem>> -> memref<1x16x1024xf32, #tpu.memory_space<vmem>>
    %dma_wait3A_752 = tpu.memref_squeeze %dma_wait3A_751 : memref<1x16x1024xf32, #tpu.memory_space<vmem>> -> memref<16x1024xf32, #tpu.memory_space<vmem>>
    tpu.wait_dma2 semaphore(%arg14 : memref<!tpu.dma_semaphore, #tpu.memory_space<semaphore_mem>>) src(%dma_wait3A_752 : memref<16x1024xf32, #tpu.memory_space<vmem>>) dst(%dma_wait3A_748 : memref<16x1024xf32, #tpu.memory_space<hbm>>)
    %dma_start3A_753 = arith.constant 15 : i32
    %dma_start3A_754 = arith.constant 3 : i32
    %dma_start3A_755 = arith.constant 0 : i32
    %dma_start3A_756 = arith.constant 0 : i32
    %dma_start3A_757 = tpu.memref_slice %arg6[%dma_start3A_754, %dma_start3A_755, %dma_start3A_756] : memref<4x16x1024xf32, #tpu.memory_space<vmem>> -> memref<1x16x1024xf32, #tpu.memory_space<vmem>>
    %dma_start3A_758 = tpu.memref_squeeze %dma_start3A_757 : memref<1x16x1024xf32, #tpu.memory_space<vmem>> -> memref<16x1024xf32, #tpu.memory_space<vmem>>
    %dma_start3A_759 = arith.constant 0 : i32
    %dma_start3A_760 = tpu.memref_slice %arg5[%dma_start3A_753, %dma_start3A_759] : memref<16x16xi32, #tpu.memory_space<vmem>> -> memref<1x16xi32, #tpu.memory_space<vmem>>
    %dma_start3A_761 = tpu.memref_squeeze %dma_start3A_760 : memref<1x16xi32, #tpu.memory_space<vmem>> -> memref<16xi32, #tpu.memory_space<vmem>>
    %dma_start3A_762 = arith.constant 0 : i32
    %dma_start3A_763 = arith.constant 0 : i32
    %dma_start3A_764 = tpu.memref_slice %arg3[%dma_start3A_762, %dma_start3A_763] : memref<100000x1024xf32, #tpu.memory_space<hbm>> -> memref<100000x1024xf32, #tpu.memory_space<hbm>>
    tpu.enqueue_indirect_dma source(%dma_start3A_764 : memref<100000x1024xf32, #tpu.memory_space<hbm>>) target(%dma_start3A_758 : memref<16x1024xf32, #tpu.memory_space<vmem>>) offsets(%dma_start3A_761 : memref<16xi32, #tpu.memory_space<vmem>>) semaphore(%arg10 : memref<!tpu.dma_semaphore, #tpu.memory_space<semaphore_mem>>)
    %dma_wait3A_765 = arith.constant 1 : i32
    %dma_wait3A_766 = arith.constant 0 : i32
    %dma_wait3A_767 = arith.constant 0 : i32
    %dma_wait3A_768 = tpu.memref_slice %arg6[%dma_wait3A_765, %dma_wait3A_766, %dma_wait3A_767] : memref<4x16x1024xf32, #tpu.memory_space<vmem>> -> memref<1x16x1024xf32, #tpu.memory_space<vmem>>
    %dma_wait3A_769 = tpu.memref_squeeze %dma_wait3A_768 : memref<1x16x1024xf32, #tpu.memory_space<vmem>> -> memref<16x1024xf32, #tpu.memory_space<vmem>>
    %dma_wait3A_770 = arith.constant 0 : i32
    %dma_wait3A_771 = arith.constant 0 : i32
    %dma_wait3A_772 = tpu.memref_slice %arg3[%dma_wait3A_770, %dma_wait3A_771] : memref<100000x1024xf32, #tpu.memory_space<hbm>> -> memref<16x1024xf32, #tpu.memory_space<hbm>>
    %dma_wait3A_773 = arith.constant 0 : i32
    %dma_wait3A_774 = arith.constant 0 : i32
    %dma_wait3A_775 = tpu.memref_slice %arg6[%dma_wait3A_765, %dma_wait3A_773, %dma_wait3A_774] : memref<4x16x1024xf32, #tpu.memory_space<vmem>> -> memref<1x16x1024xf32, #tpu.memory_space<vmem>>
    %dma_wait3A_776 = tpu.memref_squeeze %dma_wait3A_775 : memref<1x16x1024xf32, #tpu.memory_space<vmem>> -> memref<16x1024xf32, #tpu.memory_space<vmem>>
    %dma_wait3A_777 = arith.constant 0 : i32
    %dma_wait3A_778 = arith.constant 0 : i32
    %dma_wait3A_779 = tpu.memref_slice %arg3[%dma_wait3A_777, %dma_wait3A_778] : memref<100000x1024xf32, #tpu.memory_space<hbm>> -> memref<16x1024xf32, #tpu.memory_space<hbm>>
    tpu.wait_dma2 semaphore(%arg8 : memref<!tpu.dma_semaphore, #tpu.memory_space<semaphore_mem>>) src(%dma_wait3A_779 : memref<16x1024xf32, #tpu.memory_space<hbm>>) dst(%dma_wait3A_776 : memref<16x1024xf32, #tpu.memory_space<vmem>>)
    %add3A_780 = arith.constant 208 : i32
    %add3A_781 = arith.addi %mul3A_2, %add3A_780 : i32
    %dma_start3A_782 = arith.constant 1 : i32
    %dma_start3A_783 = arith.constant 0 : i32
    %dma_start3A_784 = arith.constant 0 : i32
    %dma_start3A_785 = tpu.memref_slice %arg6[%dma_start3A_782, %dma_start3A_783, %dma_start3A_784] : memref<4x16x1024xf32, #tpu.memory_space<vmem>> -> memref<1x16x1024xf32, #tpu.memory_space<vmem>>
    %dma_start3A_786 = tpu.memref_squeeze %dma_start3A_785 : memref<1x16x1024xf32, #tpu.memory_space<vmem>> -> memref<16x1024xf32, #tpu.memory_space<vmem>>
    %dma_start3A_787 = arith.constant 0 : i32
    %dma_start3A_788 = tpu.memref_slice %arg4[%add3A_781, %dma_start3A_787] : memref<8192x1024xf32, #tpu.memory_space<hbm>> -> memref<16x1024xf32, #tpu.memory_space<hbm>>
    %dma_start3A_789 = arith.constant 0 : i32
    %dma_start3A_790 = tpu.memref_slice %arg4[%add3A_781, %dma_start3A_789] : memref<8192x1024xf32, #tpu.memory_space<hbm>> -> memref<16x1024xf32, #tpu.memory_space<hbm>>
    %dma_start3A_791 = arith.constant 0 : i32
    %dma_start3A_792 = arith.constant 0 : i32
    %dma_start3A_793 = tpu.memref_slice %arg6[%dma_start3A_782, %dma_start3A_791, %dma_start3A_792] : memref<4x16x1024xf32, #tpu.memory_space<vmem>> -> memref<1x16x1024xf32, #tpu.memory_space<vmem>>
    %dma_start3A_794 = tpu.memref_squeeze %dma_start3A_793 : memref<1x16x1024xf32, #tpu.memory_space<vmem>> -> memref<16x1024xf32, #tpu.memory_space<vmem>>
    tpu.enqueue_dma source(%dma_start3A_794 : memref<16x1024xf32, #tpu.memory_space<vmem>>) target(%dma_start3A_790 : memref<16x1024xf32, #tpu.memory_space<hbm>>) target_semaphore(%arg12 : memref<!tpu.dma_semaphore, #tpu.memory_space<semaphore_mem>>)
    %dma_wait3A_795 = arith.constant 2 : i32
    %dma_wait3A_796 = arith.constant 0 : i32
    %dma_wait3A_797 = arith.constant 0 : i32
    %dma_wait3A_798 = tpu.memref_slice %arg6[%dma_wait3A_795, %dma_wait3A_796, %dma_wait3A_797] : memref<4x16x1024xf32, #tpu.memory_space<vmem>> -> memref<1x16x1024xf32, #tpu.memory_space<vmem>>
    %dma_wait3A_799 = tpu.memref_squeeze %dma_wait3A_798 : memref<1x16x1024xf32, #tpu.memory_space<vmem>> -> memref<16x1024xf32, #tpu.memory_space<vmem>>
    %dma_wait3A_800 = arith.constant 0 : i32
    %dma_wait3A_801 = arith.constant 0 : i32
    %dma_wait3A_802 = tpu.memref_slice %arg3[%dma_wait3A_800, %dma_wait3A_801] : memref<100000x1024xf32, #tpu.memory_space<hbm>> -> memref<16x1024xf32, #tpu.memory_space<hbm>>
    %dma_wait3A_803 = arith.constant 0 : i32
    %dma_wait3A_804 = arith.constant 0 : i32
    %dma_wait3A_805 = tpu.memref_slice %arg6[%dma_wait3A_795, %dma_wait3A_803, %dma_wait3A_804] : memref<4x16x1024xf32, #tpu.memory_space<vmem>> -> memref<1x16x1024xf32, #tpu.memory_space<vmem>>
    %dma_wait3A_806 = tpu.memref_squeeze %dma_wait3A_805 : memref<1x16x1024xf32, #tpu.memory_space<vmem>> -> memref<16x1024xf32, #tpu.memory_space<vmem>>
    %dma_wait3A_807 = arith.constant 0 : i32
    %dma_wait3A_808 = arith.constant 0 : i32
    %dma_wait3A_809 = tpu.memref_slice %arg3[%dma_wait3A_807, %dma_wait3A_808] : memref<100000x1024xf32, #tpu.memory_space<hbm>> -> memref<16x1024xf32, #tpu.memory_space<hbm>>
    tpu.wait_dma2 semaphore(%arg9 : memref<!tpu.dma_semaphore, #tpu.memory_space<semaphore_mem>>) src(%dma_wait3A_809 : memref<16x1024xf32, #tpu.memory_space<hbm>>) dst(%dma_wait3A_806 : memref<16x1024xf32, #tpu.memory_space<vmem>>)
    %add3A_810 = arith.constant 224 : i32
    %add3A_811 = arith.addi %mul3A_2, %add3A_810 : i32
    %dma_start3A_812 = arith.constant 2 : i32
    %dma_start3A_813 = arith.constant 0 : i32
    %dma_start3A_814 = arith.constant 0 : i32
    %dma_start3A_815 = tpu.memref_slice %arg6[%dma_start3A_812, %dma_start3A_813, %dma_start3A_814] : memref<4x16x1024xf32, #tpu.memory_space<vmem>> -> memref<1x16x1024xf32, #tpu.memory_space<vmem>>
    %dma_start3A_816 = tpu.memref_squeeze %dma_start3A_815 : memref<1x16x1024xf32, #tpu.memory_space<vmem>> -> memref<16x1024xf32, #tpu.memory_space<vmem>>
    %dma_start3A_817 = arith.constant 0 : i32
    %dma_start3A_818 = tpu.memref_slice %arg4[%add3A_811, %dma_start3A_817] : memref<8192x1024xf32, #tpu.memory_space<hbm>> -> memref<16x1024xf32, #tpu.memory_space<hbm>>
    %dma_start3A_819 = arith.constant 0 : i32
    %dma_start3A_820 = tpu.memref_slice %arg4[%add3A_811, %dma_start3A_819] : memref<8192x1024xf32, #tpu.memory_space<hbm>> -> memref<16x1024xf32, #tpu.memory_space<hbm>>
    %dma_start3A_821 = arith.constant 0 : i32
    %dma_start3A_822 = arith.constant 0 : i32
    %dma_start3A_823 = tpu.memref_slice %arg6[%dma_start3A_812, %dma_start3A_821, %dma_start3A_822] : memref<4x16x1024xf32, #tpu.memory_space<vmem>> -> memref<1x16x1024xf32, #tpu.memory_space<vmem>>
    %dma_start3A_824 = tpu.memref_squeeze %dma_start3A_823 : memref<1x16x1024xf32, #tpu.memory_space<vmem>> -> memref<16x1024xf32, #tpu.memory_space<vmem>>
    tpu.enqueue_dma source(%dma_start3A_824 : memref<16x1024xf32, #tpu.memory_space<vmem>>) target(%dma_start3A_820 : memref<16x1024xf32, #tpu.memory_space<hbm>>) target_semaphore(%arg13 : memref<!tpu.dma_semaphore, #tpu.memory_space<semaphore_mem>>)
    %dma_wait3A_825 = arith.constant 3 : i32
    %dma_wait3A_826 = arith.constant 0 : i32
    %dma_wait3A_827 = arith.constant 0 : i32
    %dma_wait3A_828 = tpu.memref_slice %arg6[%dma_wait3A_825, %dma_wait3A_826, %dma_wait3A_827] : memref<4x16x1024xf32, #tpu.memory_space<vmem>> -> memref<1x16x1024xf32, #tpu.memory_space<vmem>>
    %dma_wait3A_829 = tpu.memref_squeeze %dma_wait3A_828 : memref<1x16x1024xf32, #tpu.memory_space<vmem>> -> memref<16x1024xf32, #tpu.memory_space<vmem>>
    %dma_wait3A_830 = arith.constant 0 : i32
    %dma_wait3A_831 = arith.constant 0 : i32
    %dma_wait3A_832 = tpu.memref_slice %arg3[%dma_wait3A_830, %dma_wait3A_831] : memref<100000x1024xf32, #tpu.memory_space<hbm>> -> memref<16x1024xf32, #tpu.memory_space<hbm>>
    %dma_wait3A_833 = arith.constant 0 : i32
    %dma_wait3A_834 = arith.constant 0 : i32
    %dma_wait3A_835 = tpu.memref_slice %arg6[%dma_wait3A_825, %dma_wait3A_833, %dma_wait3A_834] : memref<4x16x1024xf32, #tpu.memory_space<vmem>> -> memref<1x16x1024xf32, #tpu.memory_space<vmem>>
    %dma_wait3A_836 = tpu.memref_squeeze %dma_wait3A_835 : memref<1x16x1024xf32, #tpu.memory_space<vmem>> -> memref<16x1024xf32, #tpu.memory_space<vmem>>
    %dma_wait3A_837 = arith.constant 0 : i32
    %dma_wait3A_838 = arith.constant 0 : i32
    %dma_wait3A_839 = tpu.memref_slice %arg3[%dma_wait3A_837, %dma_wait3A_838] : memref<100000x1024xf32, #tpu.memory_space<hbm>> -> memref<16x1024xf32, #tpu.memory_space<hbm>>
    tpu.wait_dma2 semaphore(%arg10 : memref<!tpu.dma_semaphore, #tpu.memory_space<semaphore_mem>>) src(%dma_wait3A_839 : memref<16x1024xf32, #tpu.memory_space<hbm>>) dst(%dma_wait3A_836 : memref<16x1024xf32, #tpu.memory_space<vmem>>)
    %add3A_840 = arith.constant 240 : i32
    %add3A_841 = arith.addi %mul3A_2, %add3A_840 : i32
    %dma_start3A_842 = arith.constant 3 : i32
    %dma_start3A_843 = arith.constant 0 : i32
    %dma_start3A_844 = arith.constant 0 : i32
    %dma_start3A_845 = tpu.memref_slice %arg6[%dma_start3A_842, %dma_start3A_843, %dma_start3A_844] : memref<4x16x1024xf32, #tpu.memory_space<vmem>> -> memref<1x16x1024xf32, #tpu.memory_space<vmem>>
    %dma_start3A_846 = tpu.memref_squeeze %dma_start3A_845 : memref<1x16x1024xf32, #tpu.memory_space<vmem>> -> memref<16x1024xf32, #tpu.memory_space<vmem>>
    %dma_start3A_847 = arith.constant 0 : i32
    %dma_start3A_848 = tpu.memref_slice %arg4[%add3A_841, %dma_start3A_847] : memref<8192x1024xf32, #tpu.memory_space<hbm>> -> memref<16x1024xf32, #tpu.memory_space<hbm>>
    %dma_start3A_849 = arith.constant 0 : i32
    %dma_start3A_850 = tpu.memref_slice %arg4[%add3A_841, %dma_start3A_849] : memref<8192x1024xf32, #tpu.memory_space<hbm>> -> memref<16x1024xf32, #tpu.memory_space<hbm>>
    %dma_start3A_851 = arith.constant 0 : i32
    %dma_start3A_852 = arith.constant 0 : i32
    %dma_start3A_853 = tpu.memref_slice %arg6[%dma_start3A_842, %dma_start3A_851, %dma_start3A_852] : memref<4x16x1024xf32, #tpu.memory_space<vmem>> -> memref<1x16x1024xf32, #tpu.memory_space<vmem>>
    %dma_start3A_854 = tpu.memref_squeeze %dma_start3A_853 : memref<1x16x1024xf32, #tpu.memory_space<vmem>> -> memref<16x1024xf32, #tpu.memory_space<vmem>>
    tpu.enqueue_dma source(%dma_start3A_854 : memref<16x1024xf32, #tpu.memory_space<vmem>>) target(%dma_start3A_850 : memref<16x1024xf32, #tpu.memory_space<hbm>>) target_semaphore(%arg14 : memref<!tpu.dma_semaphore, #tpu.memory_space<semaphore_mem>>)
    %dma_wait3A_855 = arith.constant 0 : i32
    %dma_wait3A_856 = arith.constant 0 : i32
    %dma_wait3A_857 = arith.constant 0 : i32
    %dma_wait3A_858 = tpu.memref_slice %arg6[%dma_wait3A_855, %dma_wait3A_856, %dma_wait3A_857] : memref<4x16x1024xf32, #tpu.memory_space<vmem>> -> memref<1x16x1024xf32, #tpu.memory_space<vmem>>
    %dma_wait3A_859 = tpu.memref_squeeze %dma_wait3A_858 : memref<1x16x1024xf32, #tpu.memory_space<vmem>> -> memref<16x1024xf32, #tpu.memory_space<vmem>>
    %dma_wait3A_860 = arith.constant 0 : i32
    %dma_wait3A_861 = arith.constant 0 : i32
    %dma_wait3A_862 = tpu.memref_slice %arg4[%dma_wait3A_860, %dma_wait3A_861] : memref<8192x1024xf32, #tpu.memory_space<hbm>> -> memref<16x1024xf32, #tpu.memory_space<hbm>>
    %dma_wait3A_863 = arith.constant 0 : i32
    %dma_wait3A_864 = arith.constant 0 : i32
    %dma_wait3A_865 = tpu.memref_slice %arg4[%dma_wait3A_863, %dma_wait3A_864] : memref<8192x1024xf32, #tpu.memory_space<hbm>> -> memref<16x1024xf32, #tpu.memory_space<hbm>>
    %dma_wait3A_866 = arith.constant 0 : i32
    %dma_wait3A_867 = arith.constant 0 : i32
    %dma_wait3A_868 = tpu.memref_slice %arg6[%dma_wait3A_855, %dma_wait3A_866, %dma_wait3A_867] : memref<4x16x1024xf32, #tpu.memory_space<vmem>> -> memref<1x16x1024xf32, #tpu.memory_space<vmem>>
    %dma_wait3A_869 = tpu.memref_squeeze %dma_wait3A_868 : memref<1x16x1024xf32, #tpu.memory_space<vmem>> -> memref<16x1024xf32, #tpu.memory_space<vmem>>
    tpu.wait_dma2 semaphore(%arg11 : memref<!tpu.dma_semaphore, #tpu.memory_space<semaphore_mem>>) src(%dma_wait3A_869 : memref<16x1024xf32, #tpu.memory_space<vmem>>) dst(%dma_wait3A_865 : memref<16x1024xf32, #tpu.memory_space<hbm>>)
    %dma_wait3A_870 = arith.constant 1 : i32
    %dma_wait3A_871 = arith.constant 0 : i32
    %dma_wait3A_872 = arith.constant 0 : i32
    %dma_wait3A_873 = tpu.memref_slice %arg6[%dma_wait3A_870, %dma_wait3A_871, %dma_wait3A_872] : memref<4x16x1024xf32, #tpu.memory_space<vmem>> -> memref<1x16x1024xf32, #tpu.memory_space<vmem>>
    %dma_wait3A_874 = tpu.memref_squeeze %dma_wait3A_873 : memref<1x16x1024xf32, #tpu.memory_space<vmem>> -> memref<16x1024xf32, #tpu.memory_space<vmem>>
    %dma_wait3A_875 = arith.constant 0 : i32
    %dma_wait3A_876 = arith.constant 0 : i32
    %dma_wait3A_877 = tpu.memref_slice %arg4[%dma_wait3A_875, %dma_wait3A_876] : memref<8192x1024xf32, #tpu.memory_space<hbm>> -> memref<16x1024xf32, #tpu.memory_space<hbm>>
    %dma_wait3A_878 = arith.constant 0 : i32
    %dma_wait3A_879 = arith.constant 0 : i32
    %dma_wait3A_880 = tpu.memref_slice %arg4[%dma_wait3A_878, %dma_wait3A_879] : memref<8192x1024xf32, #tpu.memory_space<hbm>> -> memref<16x1024xf32, #tpu.memory_space<hbm>>
    %dma_wait3A_881 = arith.constant 0 : i32
    %dma_wait3A_882 = arith.constant 0 : i32
    %dma_wait3A_883 = tpu.memref_slice %arg6[%dma_wait3A_870, %dma_wait3A_881, %dma_wait3A_882] : memref<4x16x1024xf32, #tpu.memory_space<vmem>> -> memref<1x16x1024xf32, #tpu.memory_space<vmem>>
    %dma_wait3A_884 = tpu.memref_squeeze %dma_wait3A_883 : memref<1x16x1024xf32, #tpu.memory_space<vmem>> -> memref<16x1024xf32, #tpu.memory_space<vmem>>
    tpu.wait_dma2 semaphore(%arg12 : memref<!tpu.dma_semaphore, #tpu.memory_space<semaphore_mem>>) src(%dma_wait3A_884 : memref<16x1024xf32, #tpu.memory_space<vmem>>) dst(%dma_wait3A_880 : memref<16x1024xf32, #tpu.memory_space<hbm>>)
    %dma_wait3A_885 = arith.constant 2 : i32
    %dma_wait3A_886 = arith.constant 0 : i32
    %dma_wait3A_887 = arith.constant 0 : i32
    %dma_wait3A_888 = tpu.memref_slice %arg6[%dma_wait3A_885, %dma_wait3A_886, %dma_wait3A_887] : memref<4x16x1024xf32, #tpu.memory_space<vmem>> -> memref<1x16x1024xf32, #tpu.memory_space<vmem>>
    %dma_wait3A_889 = tpu.memref_squeeze %dma_wait3A_888 : memref<1x16x1024xf32, #tpu.memory_space<vmem>> -> memref<16x1024xf32, #tpu.memory_space<vmem>>
    %dma_wait3A_890 = arith.constant 0 : i32
    %dma_wait3A_891 = arith.constant 0 : i32
    %dma_wait3A_892 = tpu.memref_slice %arg4[%dma_wait3A_890, %dma_wait3A_891] : memref<8192x1024xf32, #tpu.memory_space<hbm>> -> memref<16x1024xf32, #tpu.memory_space<hbm>>
    %dma_wait3A_893 = arith.constant 0 : i32
    %dma_wait3A_894 = arith.constant 0 : i32
    %dma_wait3A_895 = tpu.memref_slice %arg4[%dma_wait3A_893, %dma_wait3A_894] : memref<8192x1024xf32, #tpu.memory_space<hbm>> -> memref<16x1024xf32, #tpu.memory_space<hbm>>
    %dma_wait3A_896 = arith.constant 0 : i32
    %dma_wait3A_897 = arith.constant 0 : i32
    %dma_wait3A_898 = tpu.memref_slice %arg6[%dma_wait3A_885, %dma_wait3A_896, %dma_wait3A_897] : memref<4x16x1024xf32, #tpu.memory_space<vmem>> -> memref<1x16x1024xf32, #tpu.memory_space<vmem>>
    %dma_wait3A_899 = tpu.memref_squeeze %dma_wait3A_898 : memref<1x16x1024xf32, #tpu.memory_space<vmem>> -> memref<16x1024xf32, #tpu.memory_space<vmem>>
    tpu.wait_dma2 semaphore(%arg13 : memref<!tpu.dma_semaphore, #tpu.memory_space<semaphore_mem>>) src(%dma_wait3A_899 : memref<16x1024xf32, #tpu.memory_space<vmem>>) dst(%dma_wait3A_895 : memref<16x1024xf32, #tpu.memory_space<hbm>>)
    %dma_wait3A_900 = arith.constant 3 : i32
    %dma_wait3A_901 = arith.constant 0 : i32
    %dma_wait3A_902 = arith.constant 0 : i32
    %dma_wait3A_903 = tpu.memref_slice %arg6[%dma_wait3A_900, %dma_wait3A_901, %dma_wait3A_902] : memref<4x16x1024xf32, #tpu.memory_space<vmem>> -> memref<1x16x1024xf32, #tpu.memory_space<vmem>>
    %dma_wait3A_904 = tpu.memref_squeeze %dma_wait3A_903 : memref<1x16x1024xf32, #tpu.memory_space<vmem>> -> memref<16x1024xf32, #tpu.memory_space<vmem>>
    %dma_wait3A_905 = arith.constant 0 : i32
    %dma_wait3A_906 = arith.constant 0 : i32
    %dma_wait3A_907 = tpu.memref_slice %arg4[%dma_wait3A_905, %dma_wait3A_906] : memref<8192x1024xf32, #tpu.memory_space<hbm>> -> memref<16x1024xf32, #tpu.memory_space<hbm>>
    %dma_wait3A_908 = arith.constant 0 : i32
    %dma_wait3A_909 = arith.constant 0 : i32
    %dma_wait3A_910 = tpu.memref_slice %arg4[%dma_wait3A_908, %dma_wait3A_909] : memref<8192x1024xf32, #tpu.memory_space<hbm>> -> memref<16x1024xf32, #tpu.memory_space<hbm>>
    %dma_wait3A_911 = arith.constant 0 : i32
    %dma_wait3A_912 = arith.constant 0 : i32
    %dma_wait3A_913 = tpu.memref_slice %arg6[%dma_wait3A_900, %dma_wait3A_911, %dma_wait3A_912] : memref<4x16x1024xf32, #tpu.memory_space<vmem>> -> memref<1x16x1024xf32, #tpu.memory_space<vmem>>
    %dma_wait3A_914 = tpu.memref_squeeze %dma_wait3A_913 : memref<1x16x1024xf32, #tpu.memory_space<vmem>> -> memref<16x1024xf32, #tpu.memory_space<vmem>>
    tpu.wait_dma2 semaphore(%arg14 : memref<!tpu.dma_semaphore, #tpu.memory_space<semaphore_mem>>) src(%dma_wait3A_914 : memref<16x1024xf32, #tpu.memory_space<vmem>>) dst(%dma_wait3A_910 : memref<16x1024xf32, #tpu.memory_space<hbm>>)
    return
  }
}

module attributes {stable_mosaic.version = 14 : i64} {
  func.func @_ln_block(%arg0: i32, %arg1: i32, %arg2: memref<1024x1024xf32, #tpu.memory_space<vmem>>, %arg3: memref<1024x1024xf32, #tpu.memory_space<vmem>>, %arg4: memref<1x1024xf32, #tpu.memory_space<vmem>>, %arg5: memref<1x1024xf32, #tpu.memory_space<vmem>>, %arg6: memref<1024x1024xf32, #tpu.memory_space<vmem>>) attributes {dimension_semantics = [#tpu.dimension_semantics<arbitrary>, #tpu.dimension_semantics<arbitrary>], iteration_bounds = array<i64: 2, 4>, scalar_prefetch = 0 : i64, scratch_operands = 0 : i64, tpu.core_type = #tpu.core_type<tc>, window_params = [{transform_indices = @transform_0, window_bounds = array<i64: 1024, 1024>}, {transform_indices = @transform_1, window_bounds = array<i64: 1024, 1024>}, {pipeline_mode = #tpu.pipeline_mode<synchronous>, transform_indices = @transform_2, window_bounds = array<i64: 1, 1024>}, {pipeline_mode = #tpu.pipeline_mode<synchronous>, transform_indices = @transform_3, window_bounds = array<i64: 1, 1024>}, {transform_indices = @transform_4, window_bounds = array<i64: 1024, 1024>}]} {
    %get3A = arith.constant 0 : index
    %get3A_0 = arith.constant 0 : index
    %get3A_1 = vector.load %arg2[%get3A, %get3A_0] : memref<1024x1024xf32, #tpu.memory_space<vmem>>, vector<1024x1024xf32>
    %get3A_2 = arith.constant 0 : index
    %get3A_3 = arith.constant 0 : index
    %get3A_4 = vector.load %arg3[%get3A_2, %get3A_3] : memref<1024x1024xf32, #tpu.memory_space<vmem>>, vector<1024x1024xf32>
    %add3A = arith.addf %get3A_1, %get3A_4 : vector<1024x1024xf32>
    %reduce_sum3A = arith.constant dense<0.000000e+00> : vector<1024xf32>
    %reduce_sum3A_5 = vector.multi_reduction <add>, %add3A, %reduce_sum3A [1] : vector<1024x1024xf32> to vector<1024xf32>
    %broadcast_in_dim3A = vector.shape_cast %reduce_sum3A_5 : vector<1024xf32> to vector<1024x1xf32>
    %div3A = arith.constant 1.024000e+03 : f32
    %div3A_6 = vector.broadcast %div3A : f32 to vector<1024x1xf32>
    %div3A_7 = arith.divf %broadcast_in_dim3A, %div3A_6 : vector<1024x1xf32>
    %sub3A = vector.broadcast %div3A_7 : vector<1024x1xf32> to vector<1024x1024xf32>
    %sub3A_8 = arith.subf %add3A, %sub3A : vector<1024x1024xf32>
    %mul3A = arith.mulf %sub3A_8, %sub3A_8 : vector<1024x1024xf32>
    %reduce_sum3A_9 = arith.constant dense<0.000000e+00> : vector<1024xf32>
    %reduce_sum3A_10 = vector.multi_reduction <add>, %mul3A, %reduce_sum3A_9 [1] : vector<1024x1024xf32> to vector<1024xf32>
    %broadcast_in_dim3A_11 = vector.shape_cast %reduce_sum3A_10 : vector<1024xf32> to vector<1024x1xf32>
    %div3A_12 = arith.constant 1.024000e+03 : f32
    %div3A_13 = vector.broadcast %div3A_12 : f32 to vector<1024x1xf32>
    %div3A_14 = arith.divf %broadcast_in_dim3A_11, %div3A_13 : vector<1024x1xf32>
    %add3A_15 = arith.constant 9.99999974E-6 : f32
    %add3A_16 = vector.broadcast %add3A_15 : f32 to vector<1024x1xf32>
    %add3A_17 = arith.addf %div3A_14, %add3A_16 : vector<1024x1xf32>
    %rsqrt3A = math.rsqrt %add3A_17 : vector<1024x1xf32>
    %mul3A_18 = vector.broadcast %rsqrt3A : vector<1024x1xf32> to vector<1024x1024xf32>
    %mul3A_19 = arith.mulf %sub3A_8, %mul3A_18 : vector<1024x1024xf32>
    %get3A_20 = arith.constant 0 : index
    %get3A_21 = arith.constant 0 : index
    %get3A_22 = vector.load %arg4[%get3A_20, %get3A_21] : memref<1x1024xf32, #tpu.memory_space<vmem>>, vector<1x1024xf32>
    %mul3A_23 = vector.broadcast %get3A_22 : vector<1x1024xf32> to vector<1024x1024xf32>
    %mul3A_24 = arith.mulf %mul3A_19, %mul3A_23 : vector<1024x1024xf32>
    %get3A_25 = arith.constant 0 : index
    %get3A_26 = arith.constant 0 : index
    %get3A_27 = vector.load %arg5[%get3A_25, %get3A_26] : memref<1x1024xf32, #tpu.memory_space<vmem>>, vector<1x1024xf32>
    %add3A_28 = vector.broadcast %get3A_27 : vector<1x1024xf32> to vector<1024x1024xf32>
    %add3A_29 = arith.addf %mul3A_24, %add3A_28 : vector<1024x1024xf32>
    %swap3A = arith.constant 0 : index
    %swap3A_30 = arith.constant 0 : index
    %swap3A_31 = vector.load %arg6[%swap3A, %swap3A_30] : memref<1024x1024xf32, #tpu.memory_space<vmem>>, vector<1024x1024xf32>
    tpu.vector_store %arg6[%swap3A, %swap3A_30], %add3A_29 {strides = array<i32>} : memref<1024x1024xf32, #tpu.memory_space<vmem>>, vector<1024x1024xf32>,
    return
  }
  func.func @transform_0(%arg0: i32, %arg1: i32) -> (i32, i32) {
    %mul3A = arith.constant 2 : i32
    %mul3A_0 = arith.muli %arg1, %mul3A : i32
    %add3A = arith.addi %mul3A_0, %arg0 : i32
    %c0_i32 = arith.constant 0 : i32
    %c0_i32_1 = arith.constant 0 : i32
    return %add3A, %c0_i32 : i32, i32
  }
  func.func @transform_1(%arg0: i32, %arg1: i32) -> (i32, i32) {
    %c0_i32 = arith.constant 0 : i32
    %c0_i32_0 = arith.constant 0 : i32
    return %arg0, %c0_i32 : i32, i32
  }
  func.func @transform_2(%arg0: i32, %arg1: i32) -> (i32, i32) {
    %c0_i32 = arith.constant 0 : i32
    %c0_i32_0 = arith.constant 0 : i32
    %c0_i32_1 = arith.constant 0 : i32
    return %c0_i32, %c0_i32_0 : i32, i32
  }
  func.func @transform_3(%arg0: i32, %arg1: i32) -> (i32, i32) {
    %c0_i32 = arith.constant 0 : i32
    %c0_i32_0 = arith.constant 0 : i32
    %c0_i32_1 = arith.constant 0 : i32
    return %c0_i32, %c0_i32_0 : i32, i32
  }
  func.func @transform_4(%arg0: i32, %arg1: i32) -> (i32, i32) {
    %mul3A = arith.constant 2 : i32
    %mul3A_0 = arith.muli %arg1, %mul3A : i32
    %add3A = arith.addi %mul3A_0, %arg0 : i32
    %c0_i32 = arith.constant 0 : i32
    %c0_i32_1 = arith.constant 0 : i32
    return %add3A, %c0_i32 : i32, i32
  }
}

</mosaic_0001>

<sc_bundles>
// kernel: _run.4.cloned.1.call-start
scs
__scs_entry_jumppad:
0x0: {  	(pc) =	sbr.rel $0x88, $3  }
0x1: {  	(tag) =	ssettag $0x0;
	lr =	simm.s32 $0x1  }
0x2: {  	[smem:$0x3F9C] =	sst lr;
	_ =	strace $0xD0000000  }
0x3: {  	_ = 	snop  }
0x4: {  	_ = 	snop  }
0x5: {  	_ = 	snop  }
0x6: {  	_ = 	snop  }
0x7: {  	_ = 	snop  }
__scs_overlays_trampoline_lowered:
0x8: {  	[smem:$0x3FAB] =	sst s0  }
0x9: {  	[smem:$0x3FAC] =	sst s1  }
0xa: {  	[smem:$0x3FAD] =	sst s2  }
0xb: {  	[smem:$0x3FAE] =	sst s3  }
0xc: {  	[smem:$0x3FAF] =	sst s4  }
0xd: {  	[smem:$0x3FB0] =	sst s5  }
0xe: {  	[smem:$0x3FB1] =	sst s6  }
0xf: {  	[smem:$0x3FB2] =	sst s7  }
0x10: {  	[smem:$0x3FB3] =	sst s8  }
0x11: {  	[smem:$0x3FB4] =	sst s9;
	s0 =	simm.s32 @!p0 $0x0  }
0x12: {  	s1 =	sld [smem:$0x3F9A];
	s0 =	simm.s32 @p0 $0x1  }
0x13: {  	[smem:$0x3FB5] =	sst s0;
	s0 =	simm.s32 @!p1 $0x0  }
0x14: {  	s2 =	sld [smem:$0x3F99];
	s0 =	simm.s32 @p1 $0x1  }
0x15: {  	[smem:$0x3FB6] =	sst s0;
	s0 =	simm.s32 @!p2 $0x0  }
0x16: {  	s3 =	sld [smem:$0x3FDB];
	s0 =	simm.s32 @p2 $0x1  }
0x17: {  	s4 =	simm.s32 $0x1BF5;
	[smem:$0x3FB8] =	sst s0  }
0x18: {  	s0 =	sld [smem:$0x3F9B];
	_ =	swait.ge [sflag:s4], $0x0  }
0x19: {  	s7 =	sld [smem:$0x3F9C]  }
0x1a: {  	s8 =	sadd.s32 $0xFFFFE003, lr  }
0x1b: {  	s9 =	sadd.s32 $0xFFFFFEF7, lr;
	s5 =	simm.s32 $0xFFFFFFFF;
	p2 =	slt.u32 s8, $0xFFFFF086  }
0x1c: {  	p1 =	slt.u32 s9, $0xF7A;
	s5 =	simm.s32 @!p2 $0x0  }
0x1d: {  	s5 =	simm.s32 @p1 $0x1;
	p0 =	seq.s32 s7, s2  }
0x1e: {  	s7 =	smul.u32 @!p0 $0xF7A, s2;
	p2 =	seq.s32 @!p0 s5, $0x0  }
0x1f: {  	s9 =	smul.u32 $0xF7A, s1;
	s8 =	simm.s32 @!p0 $0x1BF5;
	p2 =	por !p2, p0  }
0x20: {  	[sflag:s8] =	ssyncset.s32 @!p0 $0xFFFFF086;
	s6 =	sadd.s32 @!p0 s3, s7;
	s7 =	simm.s32 @!p0 $0x108  }
0x21: {  	s3 =	sadd.s32 s3, s9;
	s6 =	sadd.s32 @!p0 $0x88, s6;
	s7 =	simm.s32 @p2 $0x1082  }
0x22: {  	[simem:s7], [sflag:s8] =	dma.local @!p0 [hbm:s6], $0xF7A  }
0x23: {  	s9 =	sor.u32 $0xD0000000, s2;
	s6 =	simm.s32 $0x108;
	_ =	swait.ge @!p0 [sflag:s8], $0x0  }
0x24: {  	s3 =	sadd.s32 $0x88, s3;
	s6 =	simm.s32 @!p1 $0x1082;
	[sflag:s4] =	ssyncset.s32 $0xFFFFF086  }
0x25: {  	[simem:s6], [sflag:s4] =	dma.local [hbm:s3], $0xF7A  }
0x26: {  	[smem:$0x3F9C] =	sst s1;
	(tag) =	ssettag s2;
	_ =	strace s9  }
0x27: {  	s1 =	sld [smem:$0x3FAC]  }
0x28: {  	s2 =	sld [smem:$0x3FAD]  }
0x29: {  	s4 =	sld [smem:$0x3FAF]  }
0x2a: {  	p0 =	seq.s32 s5, $0x0;
	s5 =	sld [smem:$0x3FB0]  }
0x2b: {  	s6 =	sld [smem:$0x3FB1]  }
0x2c: {  	s7 =	sld [smem:$0x3FB2]  }
0x2d: {  	s3 =	simm.s32 $0x108;
	s8 =	sld [smem:$0x3FB3]  }
0x2e: {  	s3 =	simm.s32 @!p0 $0x1082;
	s9 =	sld [smem:$0x3FB4]  }
0x2f: {  	lr =	sadd.s32 s0, s3;
	s0 =	sld [smem:$0x3FAB]  }
0x30: {  	s3 =	sld [smem:$0x3FAE]  }
0x31: {  	[smem:$0x3FB7] =	sst s10  }
0x32: {  	s10 =	sld [smem:$0x3FB5];
	_ =	sdelay $0x3  }
0x33: {  	p0 =	seq.s32 s10, $0x1;
	s10 =	sld [smem:$0x3FB7];
	_ =	sdelay $0x3  }
0x34: {  	[smem:$0x3FB7] =	sst s10  }
0x35: {  	s10 =	sld [smem:$0x3FB6];
	_ =	sdelay $0x3  }
0x36: {  	p1 =	seq.s32 s10, $0x1;
	s10 =	sld [smem:$0x3FB7];
	_ =	sdelay $0x3  }
0x37: {  	[smem:$0x3FB7] =	sst s10  }
0x38: {  	s10 =	sld [smem:$0x3FB8]  }
0x39: {  	_ = 	snop;
	(pc) =	sbr.ind lr, $3  }
0x3a: {  	_ = 	snop  }
0x3b: {  	_ = 	snop  }
0x3c: {  	p2 =	seq.s32 s10, $0x1;
	s10 =	sld [smem:$0x3FB7]  }
0x3d: {  	_ =	shalt  }
0x3e: {  	_ =	shalt  }
0x3f: {  	_ =	shalt  }
0x40: {  	_ =	shalt  }
0x41: {  	_ =	shalt  }
0x42: {  	_ =	shalt  }
0x43: {  	_ =	shalt  }
0x44: {  	_ =	shalt  }
0x45: {  	_ =	shalt  }
0x46: {  	_ =	shalt  }
0x47: {  	_ =	shalt  }
0x48: {  	_ =	shalt  }
0x49: {  	_ =	shalt  }
0x4a: {  	_ =	shalt  }
0x4b: {  	_ =	shalt  }
0x4c: {  	_ =	shalt  }
0x4d: {  	_ =	shalt  }
0x4e: {  	_ =	shalt  }
0x4f: {  	_ =	shalt  }
0x50: {  	_ =	shalt  }
0x51: {  	_ =	shalt  }
0x52: {  	_ =	shalt  }
0x53: {  	_ =	shalt  }
0x54: {  	_ =	shalt  }
0x55: {  	_ =	shalt  }
0x56: {  	_ =	shalt  }
0x57: {  	_ =	shalt  }
0x58: {  	_ =	shalt  }
0x59: {  	_ =	shalt  }
0x5a: {  	_ =	shalt  }
0x5b: {  	_ =	shalt  }
0x5c: {  	_ =	shalt  }
0x5d: {  	_ =	shalt  }
0x5e: {  	_ =	shalt  }
0x5f: {  	_ =	shalt  }
0x60: {  	_ =	shalt  }
0x61: {  	_ =	shalt  }
0x62: {  	_ =	shalt  }
0x63: {  	_ =	shalt  }
0x64: {  	_ =	shalt  }
0x65: {  	_ =	shalt  }
0x66: {  	_ =	shalt  }
0x67: {  	_ =	shalt  }
0x68: {  	_ =	shalt  }
0x69: {  	_ =	shalt  }
0x6a: {  	_ =	shalt  }
0x6b: {  	_ =	shalt  }
0x6c: {  	_ =	shalt  }
0x6d: {  	_ =	shalt  }
0x6e: {  	_ =	shalt  }
0x6f: {  	_ =	shalt  }
0x70: {  	_ =	shalt  }
0x71: {  	_ =	shalt  }
0x72: {  	_ =	shalt  }
0x73: {  	_ =	shalt  }
0x74: {  	_ =	shalt  }
0x75: {  	_ =	shalt  }
0x76: {  	_ =	shalt  }
0x77: {  	_ =	shalt  }
0x78: {  	_ =	shalt  }
0x79: {  	_ =	shalt  }
0x7a: {  	_ =	shalt  }
0x7b: {  	_ =	shalt  }
0x7c: {  	_ =	shalt  }
0x7d: {  	_ =	shalt  }
0x7e: {  	_ =	shalt  }
0x7f: {  	_ =	shalt  }
0x80: {  	_ =	shalt  }
0x81: {  	_ =	shalt  }
0x82: {  	_ =	shalt  }
0x83: {  	_ =	shalt  }
0x84: {  	_ =	shalt  }
0x85: {  	_ =	shalt  }
0x86: {  	_ =	shalt  }
0x87: {  	_ =	shalt  }
.Lfunc_end0:
.L_simem_size_0:
called_computation_lowered:
.L_overlay_start_0:
0x88: {  	s2 =	sld [smem:$0x3FD9]  }
0x89: {  	s3 =	sld [smem:$0x3FFE];
	_ =	sdelay $0x1  }
0x8a: {  	s1 =	srdreg.scid  }
0x8b: {  	s0 =	sand.u32 $0x1, s1  }
0x8c: {  	s17 =	sshll.u32 s0, $0xA;
	s2 =	sadd.s32 s3, s2  }
0x8d: {  	s2 =	sadd.s32 s2, s17  }
0x8e: {  	[smem:$0x3FC3] =	sst s2  }
0x8f: {  	_ = 	snop  }
0x90: {  	s2 =	sld [smem:$0x3FC8]  }
0x91: {  	s18 =	sld [smem:$0x3FD0];
	(tm) =	ssettm $0x1  }
0x92: {  	s4 =	sld [smem:$0x3FFB];
	_ =	sdelay $0x3  }
0x93: {  	_ =	strace s4  }
0x94: {  	s4 =	sld [smem:$0x3FFC];
	_ =	sdelay $0x3  }
0x95: {  	_ =	strace s4  }
0x96: {  	s4 =	sld [smem:$0x3FFD];
	_ =	sdelay $0x3  }
0x97: {  	_ =	strace s4  }
0x98: {  	_ =	strace $0x8FFFFFFF  }
0x99: {  	s19 =	sld [smem:$0x3FDB];
	_ =	sdelay $0x1  }
0x9a: {  	s5 =	simm.s32 $_scs_section_size  }
0x9b: {  	s6 =	simm.s32 $_size__tile_overlayer_lowered;
	s7 =	simm.s32 $_tile_overlayer_lowered  }
0x9c: {  	s22 =	simm.s32 $0x1BFF;
	s21 =	sshll.u32 s7, $0x1;
	s4 =	sadd.s32 s5, s19  }
0x9d: {  	s8 =	simm.s32 $0x0;
	s20 =	sshll.u32 s6, $0x1;
	s6 =	sadd.s32 s21, s4  }
0x9e: {  	[timem:s8], [sflag:s22] =	dma.local [hbm:s6], s20  }
0x9f: {  	_ =	swait.ge [sflag:s22], s20  }
0xa0: {  	s5 =	ssub.s32 $0x0, s20;
	[sflag:s22] =	ssyncset.done $0x0  }
0xa1: {  	[sflag:s22] =	ssyncadd.s32 s5;
	_ =	sdelay $0x1  }
0xa2: {  	s23 =	simm.s32 $0x1B8B  }
0xa3: {  	_ =	swait.ge [sflag:s23], $0x1  }
0xa4: {  	[sflag:s23] =	ssyncset.done $0x0  }
0xa5: {  	s25 =	simm.s32 $0x1B8E;
	s24 =	sld [smem:$0x3FFE];
	[sflag:s23] =	ssyncadd.s32 $0xFFFFFFFF  }
0xa6: {  	s26 =	simm.s32 $execute0_lowered;
	[smem:$0x3FD2] =	sst s25  }
0xa7: {  	s6 =	sshll.u32 s26, $0x1;
	_ =	strace $0x80000046;
	[dreg:$0x1] =	wrdreg $0xFFFFFFFF  }
0xa8: {  	s28 =	simm.s32 $_size_execute0_lowered;
	s4 =	sadd.s32 s4, s6;
	[dreg:$0x0] =	wrdreg $0x0  }
0xa9: {  	s6 =	sshll.u32 s28, $0x1;
	[dreg:$0x2] =	wrdreg s4  }
0xaa: {  	[dreg:$0x3] =	wrdreg s6  }
0xab: {  	[dreg:$0x4] =	wrdreg $0xC0  }
0xac: {  	_ =	task [dreg:s8], $0x5FFFF  }
0xad: {  	[dreg:$0x1] =	wrdreg $0xFFFFFFFF  }
0xae: {  	[dreg:$0x0] =	wrdreg $0x60  }
0xaf: {  	[dreg:$0x2] =	wrdreg s18  }
0xb0: {  	[dreg:$0x3] =	wrdreg s2  }
0xb1: {  	[dreg:$0x4] =	wrdreg s24  }
0xb2: {  	[dreg:$0x5] =	wrdreg $0x9  }
0xb3: {  	_ =	task.clear_ibuf [dreg:s8], $0x6FFFF;
	_ =	strace $0x90000046  }
0xb4: {  	s29 =	simm.s32 $0x9;
	_ =	strace $0x80000048  }
0xb5: {  	_ =	swait.ge [sflag:s29], $0x1  }
0xb6: {  	[sflag:s29] =	ssyncadd.s32 $0xFFFFFFFF  }
0xb7: {  	_ =	strace $0x90000048  }
0xb8: {  	_ =	sfence  }
0xb9: {  	s30 =	sld [smem:$0x0];
	_ =	sdelay $0x2  }
0xba: {  	s31 =	sshll.u32 s1, $0xD;
	s1 =	sshrl.u32 s1, $0x2  }
0xbb: {  	s3 =	sand.u32 $0x4000, s31;
	s1 =	sadd.s32 s1, s30  }
0xbc: {  	s0 =	sor.u32 s3, s0;
	s1 =	sshll.u32 s1, $0x11  }
0xbd: {  	s0 =	sor.u32 s1, s0  }
0xbe: {  	s0 =	sadd.s32 $0x8F2B, s0  }
0xbf: {  	[sflag:s0] =	ssyncadd.remote.s32 $0x1  }
0xc0: {  	_ =	sfence.sel $0xFFFF  }
0xc1: {  	[dreg:$0x0] =	wrdreg $0xFFFFFFFF;
	(pc) =	sbr.abs _section_cstart, $3  }
0xc2: {  	[dreg:$0x1] =	wrdreg $0xFFFFFFFF  }
0xc3: {  	_ =	task.clear_ibuf [dreg:s8], $0x2FFFF;
	_ =	strace $0x9FFFFFFF  }
0xc4: {  	(tm) =	ssettm $0x7FFFFFFF  }
0xc5: {  	_ =	shalt  }
tec
execute0_lowered:
.L_overlay_start_1:
0x0: {  	(tag) =	ssettag $0x1  }
0x1: {  	s0 =	rddreg [dreg:$0x0]  }
0x2: {  	s1 =	srdreg.scid;
	s3 =	stileid.u32  }
0x3: {  	s2 =	rddreg [dreg:$0x1];
	s1 =	sand.u32 $0x1, s1;
	s5 =	sshll.u32 s3, $0x1  }
0x4: {  	s4 =	rddreg [dreg:$0x2];
	s5 =	sor.u32 s1, s5  }
0x5: {  	s3 =	simm.s32 $0x0;
	s6 =	sshll.u32 s5, $0xF;
	s5 =	sshll.u32 s5, $0x8  }
0x6: {  	[smem:$0x7FF] =	sst s3;
	s6 =	sadd.s32 s6, s4;
	s0 =	sadd.s32 s0, s5  }
0x7: {  	_ =	strace $0x80000047;
	[dreg:$0x4] =	wrdreg s0;
	s13 =	sadd.s32 $0xA00, s6  }
0x8: {  	s14 =	sadd.s32 $0x1200, s6;
	[dreg:$0x5] =	wrdreg s13  }
0x9: {  	s15 =	sadd.s32 $0x1A00, s6;
	[dreg:$0x6] =	wrdreg s14  }
0xa: {  	s16 =	sadd.s32 $0x2200, s6;
	[dreg:$0x7] =	wrdreg s15  }
0xb: {  	s17 =	sadd.s32 $0x2A00, s6;
	[dreg:$0x8] =	wrdreg s16  }
0xc: {  	s31 =	simm.s32 $0x800;
	s18 =	sadd.s32 $0x3200, s6;
	[dreg:$0x9] =	wrdreg s17  }
0xd: {  	s8 =	simm.s32 $0x1;
	s19 =	sadd.s32 $0x3A00, s6;
	[dreg:$0xa] =	wrdreg s18  }
0xe: {  	s10 =	simm.s32 $0xC800;
	s20 =	sadd.s32 $0x4200, s6;
	[dreg:$0xb] =	wrdreg s19  }
0xf: {  	s1 =	ssub.s32 $0x2, s1;
	s21 =	sadd.s32 $0x4A00, s6;
	[dreg:$0xc] =	wrdreg s20  }
0x10: {  	s26 =	sshrl.u32 s1, $0x1;
	s22 =	sadd.s32 $0x5200, s6;
	[dreg:$0xd] =	wrdreg s21  }
0x11: {  	s1 =	ssub.s32 s1, s26;
	s23 =	sadd.s32 $0x5A00, s6;
	[dreg:$0xe] =	wrdreg s22  }
0x12: {  	s4 =	sadd.s32 $0x100, s2;
	s24 =	sadd.s32 $0x6200, s6;
	[dreg:$0xf] =	wrdreg s23  }
0x13: {  	s5 =	sadd.s32 $0x200, s2;
	s25 =	sadd.s32 $0x6A00, s6;
	[dreg:$0x10] =	wrdreg s24  }
0x14: {  	s26 =	simm.s32 $0x8;
	s28 =	sadd.s32 $0x7200, s6;
	[dreg:$0x11] =	wrdreg s25  }
0x15: {  	s29 =	sadd.s32 $0x7A00, s6;
	s30 =	sadd.s32 $0x8200, s6;
	[dreg:$0x12] =	wrdreg s28  }
0x16: {  	s6 =	sadd.s32 $0x300, s2;
	s7 =	smax.u32 s1, $0x1;
	[dreg:$0x13] =	wrdreg s29  }
0x17: {  	v2 =	vlaneseq.u32;
	[dreg:$0x14] =	wrdreg s30;
	s17 =	simm.s32 $0x4800;
	s25 =	simm.s32 $0x8800  }
0x18: {  	vm0 =	vmmov $0xffff;
	v1 =	vshrl.u32 v2, $0x3;
	s19 =	simm.s32 $0x2;
	s20 =	simm.s32 $0x5;
	s21 =	simm.s32 $0x3  }
0x19: {  	v0 =	vand.u32 $0x7, v2;
	v2 =	vor.u32 $0x8, v2;
	v1 =	vmul.u32 $0x8, v1;
	s22 =	simm.s32 $0x6;
	s23 =	simm.s32 $0x4;
	s24 =	simm.s32 $0x7  }
.LBB2_1:
0x1a: {  	s28 =	rddreg [dreg:$0x4];
	s15 =	simm.s32 $0x9  }
0x1b: {  	[tilespmem:s3], [sflag:$0x9] =	stream.linear.gather [hbm4b:s28+s3], $0x800, $0x38;
	[tilespmem:$0x10800] =	vst v63  }
0x1c: {  	_ =	swait.ge [sflag:s15], $0x800  }
0x1d: {  	[sflag:s15] =	ssyncset.done $0x0  }
0x1e: {  	[sflag:s15] =	ssyncadd.s32 $0xFFFFF800  }
0x1f: {  	v3 =	vld [tilespmem:$0x0];
	_ =	sdelay $0x4  }
0x20: {  	v4 =	vshll.u32 v3, $0x3  }
0x21: {  	v3 =	vand.u32 $0x7, v3;
	v4 =	vand.u32 $0xFFFFFFC0, v4  }
0x22: {  	v3 =	vor.u32 v3, v4  }
0x23: {  	v4 =	vperm.xlane v3, v0;
	_ =	sdelay $0x1  }
0x24: {  	v4 =	vadd.s32 v1, v4;
	_ =	sdelay $0x4  }
0x25: {  	[tilespmem:s31], [sflag:$0x1] =	stream.indirect_vreg.gather [hbm4b:s2+s3], $0x80, v4, vm0, $0xb8;
	[tilespmem:$0x10800] =	vst v63  }
0x26: {  	s0 =	simm.s32 $0x1000;
	v3 =	vperm.xlane v3, v2  }
0x27: {  	[tilespmem:s0], [sflag:$0x1] =	stream.indirect_vreg.gather [hbm4b:s4+s3], $0x80, v4, vm0, $0xb8;
	[tilespmem:$0x10800] =	vst v63  }
0x28: {  	s16 =	simm.s32 $0x1800;
	v3 =	vadd.s32 v1, v3  }
0x29: {  	[tilespmem:s16], [sflag:$0x1] =	stream.indirect_vreg.gather [hbm4b:s5+s3], $0x80, v4, vm0, $0xb8;
	[tilespmem:$0x10800] =	vst v63  }
0x2a: {  	s18 =	simm.s32 $0x2000  }
0x2b: {  	[tilespmem:s18], [sflag:$0x1] =	stream.indirect_vreg.gather [hbm4b:s6+s3], $0x80, v4, vm0, $0xb8;
	[tilespmem:$0x10800] =	vst v63  }
0x2c: {  	s28 =	simm.s32 $0x2800  }
0x2d: {  	[tilespmem:s28], [sflag:$0x1] =	stream.indirect_vreg.gather [hbm4b:s2+s3], $0x80, v3, vm0, $0xb8;
	[tilespmem:$0x10800] =	vst v63  }
0x2e: {  	s1 =	simm.s32 $0x3000  }
0x2f: {  	[tilespmem:s1], [sflag:$0x1] =	stream.indirect_vreg.gather [hbm4b:s4+s3], $0x80, v3, vm0, $0xb8;
	[tilespmem:$0x10800] =	vst v63  }
0x30: {  	s9 =	simm.s32 $0x3800  }
0x31: {  	[tilespmem:s9], [sflag:$0x1] =	stream.indirect_vreg.gather [hbm4b:s5+s3], $0x80, v3, vm0, $0xb8;
	[tilespmem:$0x10800] =	vst v63  }
0x32: {  	s11 =	simm.s32 $0x4000  }
0x33: {  	[tilespmem:s11], [sflag:$0x1] =	stream.indirect_vreg.gather [hbm4b:s6+s3], $0x80, v3, vm0, $0xb8;
	[tilespmem:$0x10800] =	vst v63  }
0x34: {  	v3 =	vld [tilespmem:$0x80];
	_ =	sdelay $0x4  }
0x35: {  	v49 =	vshll.u32 v3, $0x3  }
0x36: {  	v3 =	vand.u32 $0x7, v3;
	v4 =	vand.u32 $0xFFFFFFC0, v49  }
0x37: {  	v3 =	vor.u32 v3, v4  }
0x38: {  	v4 =	vperm.xlane v3, v0;
	_ =	sdelay $0x1  }
0x39: {  	v4 =	vadd.s32 v1, v4;
	_ =	sdelay $0x4  }
0x3a: {  	[tilespmem:s17], [sflag:$0x2] =	stream.indirect_vreg.gather [hbm4b:s2+s3], $0x80, v4, vm0, $0xb8;
	[tilespmem:$0x10800] =	vst v63  }
0x3b: {  	s12 =	simm.s32 $0x5000;
	v3 =	vperm.xlane v3, v2  }
0x3c: {  	[tilespmem:s12], [sflag:$0x2] =	stream.indirect_vreg.gather [hbm4b:s4+s3], $0x80, v4, vm0, $0xb8;
	[tilespmem:$0x10800] =	vst v63  }
0x3d: {  	s13 =	simm.s32 $0x5800;
	v3 =	vadd.s32 v1, v3  }
0x3e: {  	[tilespmem:s13], [sflag:$0x2] =	stream.indirect_vreg.gather [hbm4b:s5+s3], $0x80, v4, vm0, $0xb8;
	[tilespmem:$0x10800] =	vst v63  }
0x3f: {  	s16 =	simm.s32 $0x6000  }
0x40: {  	[tilespmem:s16], [sflag:$0x2] =	stream.indirect_vreg.gather [hbm4b:s6+s3], $0x80, v4, vm0, $0xb8;
	[tilespmem:$0x10800] =	vst v63  }
0x41: {  	s18 =	simm.s32 $0x6800  }
0x42: {  	[tilespmem:s18], [sflag:$0x2] =	stream.indirect_vreg.gather [hbm4b:s2+s3], $0x80, v3, vm0, $0xb8;
	[tilespmem:$0x10800] =	vst v63  }
0x43: {  	s28 =	simm.s32 $0x7000  }
0x44: {  	[tilespmem:s28], [sflag:$0x2] =	stream.indirect_vreg.gather [hbm4b:s4+s3], $0x80, v3, vm0, $0xb8;
	[tilespmem:$0x10800] =	vst v63  }
0x45: {  	s12 =	simm.s32 $0x7800  }
0x46: {  	[tilespmem:s12], [sflag:$0x2] =	stream.indirect_vreg.gather [hbm4b:s5+s3], $0x80, v3, vm0, $0xb8;
	[tilespmem:$0x10800] =	vst v63  }
0x47: {  	s13 =	simm.s32 $0x8000  }
0x48: {  	[tilespmem:s13], [sflag:$0x2] =	stream.indirect_vreg.gather [hbm4b:s6+s3], $0x80, v3, vm0, $0xb8;
	[tilespmem:$0x10800] =	vst v63  }
0x49: {  	v3 =	vld [tilespmem:$0x100];
	_ =	sdelay $0x4  }
0x4a: {  	v50 =	vshll.u32 v3, $0x3  }
0x4b: {  	v3 =	vand.u32 $0x7, v3;
	v4 =	vand.u32 $0xFFFFFFC0, v50  }
0x4c: {  	v3 =	vor.u32 v3, v4  }
0x4d: {  	v4 =	vperm.xlane v3, v0;
	_ =	sdelay $0x1  }
0x4e: {  	v4 =	vadd.s32 v1, v4;
	_ =	sdelay $0x4  }
0x4f: {  	[tilespmem:s25], [sflag:$0x3] =	stream.indirect_vreg.gather [hbm4b:s2+s3], $0x80, v4, vm0, $0xb8;
	[tilespmem:$0x10800] =	vst v63  }
0x50: {  	s13 =	simm.s32 $0x9000;
	v3 =	vperm.xlane v3, v2  }
0x51: {  	[tilespmem:s13], [sflag:$0x3] =	stream.indirect_vreg.gather [hbm4b:s4+s3], $0x80, v4, vm0, $0xb8;
	[tilespmem:$0x10800] =	vst v63  }
0x52: {  	s28 =	simm.s32 $0x9800;
	v3 =	vadd.s32 v1, v3  }
0x53: {  	[tilespmem:s28], [sflag:$0x3] =	stream.indirect_vreg.gather [hbm4b:s5+s3], $0x80, v4, vm0, $0xb8;
	[tilespmem:$0x10800] =	vst v63  }
0x54: {  	s12 =	simm.s32 $0xA000  }
0x55: {  	[tilespmem:s12], [sflag:$0x3] =	stream.indirect_vreg.gather [hbm4b:s6+s3], $0x80, v4, vm0, $0xb8;
	[tilespmem:$0x10800] =	vst v63  }
0x56: {  	s28 =	simm.s32 $0xA800  }
0x57: {  	[tilespmem:s28], [sflag:$0x3] =	stream.indirect_vreg.gather [hbm4b:s2+s3], $0x80, v3, vm0, $0xb8;
	[tilespmem:$0x10800] =	vst v63  }
0x58: {  	s12 =	simm.s32 $0xB000  }
0x59: {  	[tilespmem:s12], [sflag:$0x3] =	stream.indirect_vreg.gather [hbm4b:s4+s3], $0x80, v3, vm0, $0xb8;
	[tilespmem:$0x10800] =	vst v63  }
0x5a: {  	s28 =	simm.s32 $0xB800  }
0x5b: {  	[tilespmem:s28], [sflag:$0x3] =	stream.indirect_vreg.gather [hbm4b:s5+s3], $0x80, v3, vm0, $0xb8;
	[tilespmem:$0x10800] =	vst v63  }
0x5c: {  	s12 =	simm.s32 $0xC000  }
0x5d: {  	[tilespmem:s12], [sflag:$0x3] =	stream.indirect_vreg.gather [hbm4b:s6+s3], $0x80, v3, vm0, $0xb8;
	[tilespmem:$0x10800] =	vst v63  }
0x5e: {  	_ =	swait.ge [sflag:s8], $0x4000  }
0x5f: {  	[sflag:s8] =	ssyncset.done $0x0  }
0x60: {  	s13 =	rddreg [dreg:$0x5];
	[sflag:s8] =	ssyncadd.s32 $0xFFFFC000  }
0x61: {  	[hbm4b:s13+s3] =	stream.linear.scatter [tilespmem:s31], [sflag:$0x5], $0x4000, $0x38;
	[tilespmem:$0x10800] =	vst v63  }
0x62: {  	v3 =	vld [tilespmem:$0x180];
	_ =	sdelay $0x4  }
0x63: {  	v51 =	vshll.u32 v3, $0x3  }
0x64: {  	v3 =	vand.u32 $0x7, v3;
	v4 =	vand.u32 $0xFFFFFFC0, v51  }
0x65: {  	v3 =	vor.u32 v3, v4  }
0x66: {  	v4 =	vperm.xlane v3, v0;
	_ =	sdelay $0x1  }
0x67: {  	v4 =	vadd.s32 v1, v4;
	_ =	sdelay $0x4  }
0x68: {  	[tilespmem:s10], [sflag:$0x4] =	stream.indirect_vreg.gather [hbm4b:s2+s3], $0x80, v4, vm0, $0xb8;
	[tilespmem:$0x10800] =	vst v63  }
0x69: {  	s13 =	simm.s32 $0xD000;
	v3 =	vperm.xlane v3, v2  }
0x6a: {  	[tilespmem:s13], [sflag:$0x4] =	stream.indirect_vreg.gather [hbm4b:s4+s3], $0x80, v4, vm0, $0xb8;
	[tilespmem:$0x10800] =	vst v63  }
0x6b: {  	s28 =	simm.s32 $0xD800;
	v3 =	vadd.s32 v1, v3  }
0x6c: {  	[tilespmem:s28], [sflag:$0x4] =	stream.indirect_vreg.gather [hbm4b:s5+s3], $0x80, v4, vm0, $0xb8;
	[tilespmem:$0x10800] =	vst v63  }
0x6d: {  	s28 =	simm.s32 $0xE000  }
0x6e: {  	[tilespmem:s28], [sflag:$0x4] =	stream.indirect_vreg.gather [hbm4b:s6+s3], $0x80, v4, vm0, $0xb8;
	[tilespmem:$0x10800] =	vst v63  }
0x6f: {  	s28 =	simm.s32 $0xE800  }
0x70: {  	[tilespmem:s28], [sflag:$0x4] =	stream.indirect_vreg.gather [hbm4b:s2+s3], $0x80, v3, vm0, $0xb8;
	[tilespmem:$0x10800] =	vst v63  }
0x71: {  	s28 =	simm.s32 $0xF000  }
0x72: {  	[tilespmem:s28], [sflag:$0x4] =	stream.indirect_vreg.gather [hbm4b:s4+s3], $0x80, v3, vm0, $0xb8;
	[tilespmem:$0x10800] =	vst v63  }
0x73: {  	s28 =	simm.s32 $0xF800  }
0x74: {  	[tilespmem:s28], [sflag:$0x4] =	stream.indirect_vreg.gather [hbm4b:s5+s3], $0x80, v3, vm0, $0xb8;
	[tilespmem:$0x10800] =	vst v63  }
0x75: {  	s28 =	simm.s32 $0x10000  }
0x76: {  	[tilespmem:s28], [sflag:$0x4] =	stream.indirect_vreg.gather [hbm4b:s6+s3], $0x80, v3, vm0, $0xb8;
	[tilespmem:$0x10800] =	vst v63  }
0x77: {  	_ =	swait.ge [sflag:s19], $0x4000  }
0x78: {  	[sflag:s19] =	ssyncset.done $0x0  }
0x79: {  	s28 =	rddreg [dreg:$0x6];
	[sflag:s19] =	ssyncadd.s32 $0xFFFFC000  }
0x7a: {  	[hbm4b:s28+s3] =	stream.linear.scatter [tilespmem:s17], [sflag:$0x6], $0x4000, $0x38;
	[tilespmem:$0x10800] =	vst v63  }
0x7b: {  	_ =	swait.ge [sflag:s20], $0x4000  }
0x7c: {  	[sflag:s20] =	ssyncset.done $0x0  }
0x7d: {  	[sflag:s20] =	ssyncadd.s32 $0xFFFFC000  }
0x7e: {  	v3 =	vld [tilespmem:$0x200];
	_ =	sdelay $0x4  }
0x7f: {  	v52 =	vshll.u32 v3, $0x3  }
0x80: {  	v3 =	vand.u32 $0x7, v3;
	v4 =	vand.u32 $0xFFFFFFC0, v52  }
0x81: {  	v3 =	vor.u32 v3, v4  }
0x82: {  	v4 =	vperm.xlane v3, v0;
	_ =	sdelay $0x1  }
0x83: {  	v4 =	vadd.s32 v1, v4;
	_ =	sdelay $0x4  }
0x84: {  	[tilespmem:s31], [sflag:$0x1] =	stream.indirect_vreg.gather [hbm4b:s2+s3], $0x80, v4, vm0, $0xb8;
	[tilespmem:$0x10800] =	vst v63  }
0x85: {  	s30 =	simm.s32 $0x1000;
	v3 =	vperm.xlane v3, v2  }
0x86: {  	[tilespmem:s30], [sflag:$0x1] =	stream.indirect_vreg.gather [hbm4b:s4+s3], $0x80, v4, vm0, $0xb8;
	[tilespmem:$0x10800] =	vst v63  }
0x87: {  	s15 =	simm.s32 $0x1800;
	v3 =	vadd.s32 v1, v3  }
0x88: {  	[tilespmem:s15], [sflag:$0x1] =	stream.indirect_vreg.gather [hbm4b:s5+s3], $0x80, v4, vm0, $0xb8;
	[tilespmem:$0x10800] =	vst v63  }
0x89: {  	s29 =	simm.s32 $0x2000  }
0x8a: {  	[tilespmem:s29], [sflag:$0x1] =	stream.indirect_vreg.gather [hbm4b:s6+s3], $0x80, v4, vm0, $0xb8;
	[tilespmem:$0x10800] =	vst v63  }
0x8b: {  	s14 =	simm.s32 $0x2800  }
0x8c: {  	[tilespmem:s14], [sflag:$0x1] =	stream.indirect_vreg.gather [hbm4b:s2+s3], $0x80, v3, vm0, $0xb8;
	[tilespmem:$0x10800] =	vst v63  }
0x8d: {  	s15 =	simm.s32 $0x3000  }
0x8e: {  	[tilespmem:s15], [sflag:$0x1] =	stream.indirect_vreg.gather [hbm4b:s4+s3], $0x80, v3, vm0, $0xb8;
	[tilespmem:$0x10800] =	vst v63  }
0x8f: {  	s29 =	simm.s32 $0x3800  }
0x90: {  	[tilespmem:s29], [sflag:$0x1] =	stream.indirect_vreg.gather [hbm4b:s5+s3], $0x80, v3, vm0, $0xb8;
	[tilespmem:$0x10800] =	vst v63  }
0x91: {  	s30 =	simm.s32 $0x4000  }
0x92: {  	[tilespmem:s30], [sflag:$0x1] =	stream.indirect_vreg.gather [hbm4b:s6+s3], $0x80, v3, vm0, $0xb8;
	[tilespmem:$0x10800] =	vst v63  }
0x93: {  	_ =	swait.ge [sflag:s21], $0x4000  }
0x94: {  	[sflag:s21] =	ssyncset.done $0x0  }
0x95: {  	s14 =	rddreg [dreg:$0x7];
	[sflag:s21] =	ssyncadd.s32 $0xFFFFC000  }
0x96: {  	[hbm4b:s14+s3] =	stream.linear.scatter [tilespmem:s25], [sflag:$0x7], $0x4000, $0x38;
	[tilespmem:$0x10800] =	vst v63  }
0x97: {  	_ =	swait.ge [sflag:s22], $0x4000  }
0x98: {  	[sflag:s22] =	ssyncset.done $0x0  }
0x99: {  	[sflag:s22] =	ssyncadd.s32 $0xFFFFC000  }
0x9a: {  	v3 =	vld [tilespmem:$0x280];
	_ =	sdelay $0x4  }
0x9b: {  	v53 =	vshll.u32 v3, $0x3  }
0x9c: {  	v3 =	vand.u32 $0x7, v3;
	v4 =	vand.u32 $0xFFFFFFC0, v53  }
0x9d: {  	v3 =	vor.u32 v3, v4  }
0x9e: {  	v4 =	vperm.xlane v3, v0;
	_ =	sdelay $0x1  }
0x9f: {  	v4 =	vadd.s32 v1, v4;
	_ =	sdelay $0x4  }
0xa0: {  	[tilespmem:s17], [sflag:$0x2] =	stream.indirect_vreg.gather [hbm4b:s2+s3], $0x80, v4, vm0, $0xb8;
	[tilespmem:$0x10800] =	vst v63  }
0xa1: {  	s11 =	simm.s32 $0x5000;
	v3 =	vperm.xlane v3, v2  }
0xa2: {  	[tilespmem:s11], [sflag:$0x2] =	stream.indirect_vreg.gather [hbm4b:s4+s3], $0x80, v4, vm0, $0xb8;
	[tilespmem:$0x10800] =	vst v63  }
0xa3: {  	s1 =	simm.s32 $0x5800;
	v3 =	vadd.s32 v1, v3  }
0xa4: {  	[tilespmem:s1], [sflag:$0x2] =	stream.indirect_vreg.gather [hbm4b:s5+s3], $0x80, v4, vm0, $0xb8;
	[tilespmem:$0x10800] =	vst v63  }
0xa5: {  	s9 =	simm.s32 $0x6000  }
0xa6: {  	[tilespmem:s9], [sflag:$0x2] =	stream.indirect_vreg.gather [hbm4b:s6+s3], $0x80, v4, vm0, $0xb8;
	[tilespmem:$0x10800] =	vst v63  }
0xa7: {  	s16 =	simm.s32 $0x6800  }
0xa8: {  	[tilespmem:s16], [sflag:$0x2] =	stream.indirect_vreg.gather [hbm4b:s2+s3], $0x80, v3, vm0, $0xb8;
	[tilespmem:$0x10800] =	vst v63  }
0xa9: {  	s18 =	simm.s32 $0x7000  }
0xaa: {  	[tilespmem:s18], [sflag:$0x2] =	stream.indirect_vreg.gather [hbm4b:s4+s3], $0x80, v3, vm0, $0xb8;
	[tilespmem:$0x10800] =	vst v63  }
0xab: {  	s11 =	simm.s32 $0x7800  }
0xac: {  	[tilespmem:s11], [sflag:$0x2] =	stream.indirect_vreg.gather [hbm4b:s5+s3], $0x80, v3, vm0, $0xb8;
	[tilespmem:$0x10800] =	vst v63  }
0xad: {  	s14 =	simm.s32 $0x8000  }
0xae: {  	[tilespmem:s14], [sflag:$0x2] =	stream.indirect_vreg.gather [hbm4b:s6+s3], $0x80, v3, vm0, $0xb8;
	[tilespmem:$0x10800] =	vst v63  }
0xaf: {  	_ =	swait.ge [sflag:s23], $0x4000  }
0xb0: {  	[sflag:s23] =	ssyncset.done $0x0  }
0xb1: {  	s9 =	rddreg [dreg:$0x8];
	[sflag:s23] =	ssyncadd.s32 $0xFFFFC000  }
0xb2: {  	[hbm4b:s9+s3] =	stream.linear.scatter [tilespmem:s10], [sflag:$0x8], $0x4000, $0x38;
	[tilespmem:$0x10800] =	vst v63  }
0xb3: {  	_ =	swait.ge [sflag:s24], $0x4000  }
0xb4: {  	[sflag:s24] =	ssyncset.done $0x0  }
0xb5: {  	[sflag:s24] =	ssyncadd.s32 $0xFFFFC000  }
0xb6: {  	v3 =	vld [tilespmem:$0x300];
	_ =	sdelay $0x4  }
0xb7: {  	v54 =	vshll.u32 v3, $0x3  }
0xb8: {  	v3 =	vand.u32 $0x7, v3;
	v4 =	vand.u32 $0xFFFFFFC0, v54  }
0xb9: {  	v3 =	vor.u32 v3, v4  }
0xba: {  	v4 =	vperm.xlane v3, v0;
	_ =	sdelay $0x1  }
0xbb: {  	v4 =	vadd.s32 v1, v4;
	_ =	sdelay $0x4  }
0xbc: {  	[tilespmem:s25], [sflag:$0x3] =	stream.indirect_vreg.gather [hbm4b:s2+s3], $0x80, v4, vm0, $0xb8;
	[tilespmem:$0x10800] =	vst v63  }
0xbd: {  	s0 =	simm.s32 $0x9000;
	v3 =	vperm.xlane v3, v2  }
0xbe: {  	[tilespmem:s0], [sflag:$0x3] =	stream.indirect_vreg.gather [hbm4b:s4+s3], $0x80, v4, vm0, $0xb8;
	[tilespmem:$0x10800] =	vst v63  }
0xbf: {  	v3 =	vadd.s32 v1, v3;
	s0 =	simm.s32 $0x9800  }
0xc0: {  	[tilespmem:s0], [sflag:$0x3] =	stream.indirect_vreg.gather [hbm4b:s5+s3], $0x80, v4, vm0, $0xb8;
	[tilespmem:$0x10800] =	vst v63  }
0xc1: {  	s1 =	simm.s32 $0xA000  }
0xc2: {  	[tilespmem:s1], [sflag:$0x3] =	stream.indirect_vreg.gather [hbm4b:s6+s3], $0x80, v4, vm0, $0xb8;
	[tilespmem:$0x10800] =	vst v63  }
0xc3: {  	s9 =	simm.s32 $0xA800  }
0xc4: {  	[tilespmem:s9], [sflag:$0x3] =	stream.indirect_vreg.gather [hbm4b:s2+s3], $0x80, v3, vm0, $0xb8;
	[tilespmem:$0x10800] =	vst v63  }
0xc5: {  	s18 =	simm.s32 $0xB000  }
0xc6: {  	[tilespmem:s18], [sflag:$0x3] =	stream.indirect_vreg.gather [hbm4b:s4+s3], $0x80, v3, vm0, $0xb8;
	[tilespmem:$0x10800] =	vst v63  }
0xc7: {  	s16 =	simm.s32 $0xB800  }
0xc8: {  	[tilespmem:s16], [sflag:$0x3] =	stream.indirect_vreg.gather [hbm4b:s5+s3], $0x80, v3, vm0, $0xb8;
	[tilespmem:$0x10800] =	vst v63  }
0xc9: {  	s12 =	simm.s32 $0xC000  }
0xca: {  	[tilespmem:s12], [sflag:$0x3] =	stream.indirect_vreg.gather [hbm4b:s6+s3], $0x80, v3, vm0, $0xb8;
	[tilespmem:$0x10800] =	vst v63  }
0xcb: {  	_ =	swait.ge [sflag:s8], $0x4000  }
0xcc: {  	[sflag:s8] =	ssyncset.done $0x0  }
0xcd: {  	s12 =	rddreg [dreg:$0x9];
	[sflag:s8] =	ssyncadd.s32 $0xFFFFC000  }
0xce: {  	[hbm4b:s12+s3] =	stream.linear.scatter [tilespmem:s31], [sflag:$0x5], $0x4000, $0x38;
	[tilespmem:$0x10800] =	vst v63  }
0xcf: {  	_ =	swait.ge [sflag:s26], $0x4000  }
0xd0: {  	[sflag:s26] =	ssyncset.done $0x0  }
0xd1: {  	[sflag:s26] =	ssyncadd.s32 $0xFFFFC000  }
0xd2: {  	v3 =	vld [tilespmem:$0x380];
	_ =	sdelay $0x4  }
0xd3: {  	v55 =	vshll.u32 v3, $0x3  }
0xd4: {  	v3 =	vand.u32 $0x7, v3;
	v4 =	vand.u32 $0xFFFFFFC0, v55  }
0xd5: {  	v3 =	vor.u32 v3, v4  }
0xd6: {  	v4 =	vperm.xlane v3, v0;
	_ =	sdelay $0x1  }
0xd7: {  	v4 =	vadd.s32 v1, v4;
	_ =	sdelay $0x4  }
0xd8: {  	[tilespmem:s10], [sflag:$0x4] =	stream.indirect_vreg.gather [hbm4b:s2+s3], $0x80, v4, vm0, $0xb8;
	[tilespmem:$0x10800] =	vst v63  }
0xd9: {  	s13 =	simm.s32 $0xD000;
	v3 =	vperm.xlane v3, v2  }
0xda: {  	[tilespmem:s13], [sflag:$0x4] =	stream.indirect_vreg.gather [hbm4b:s4+s3], $0x80, v4, vm0, $0xb8;
	[tilespmem:$0x10800] =	vst v63  }
0xdb: {  	v3 =	vadd.s32 v1, v3;
	s13 =	simm.s32 $0xD800  }
0xdc: {  	[tilespmem:s13], [sflag:$0x4] =	stream.indirect_vreg.gather [hbm4b:s5+s3], $0x80, v4, vm0, $0xb8;
	[tilespmem:$0x10800] =	vst v63  }
0xdd: {  	s28 =	simm.s32 $0xE000  }
0xde: {  	[tilespmem:s28], [sflag:$0x4] =	stream.indirect_vreg.gather [hbm4b:s6+s3], $0x80, v4, vm0, $0xb8;
	[tilespmem:$0x10800] =	vst v63  }
0xdf: {  	s28 =	simm.s32 $0xE800  }
0xe0: {  	[tilespmem:s28], [sflag:$0x4] =	stream.indirect_vreg.gather [hbm4b:s2+s3], $0x80, v3, vm0, $0xb8;
	[tilespmem:$0x10800] =	vst v63  }
0xe1: {  	s28 =	simm.s32 $0xF000  }
0xe2: {  	[tilespmem:s28], [sflag:$0x4] =	stream.indirect_vreg.gather [hbm4b:s4+s3], $0x80, v3, vm0, $0xb8;
	[tilespmem:$0x10800] =	vst v63  }
0xe3: {  	s28 =	simm.s32 $0xF800  }
0xe4: {  	[tilespmem:s28], [sflag:$0x4] =	stream.indirect_vreg.gather [hbm4b:s5+s3], $0x80, v3, vm0, $0xb8;
	[tilespmem:$0x10800] =	vst v63  }
0xe5: {  	s28 =	simm.s32 $0x10000  }
0xe6: {  	[tilespmem:s28], [sflag:$0x4] =	stream.indirect_vreg.gather [hbm4b:s6+s3], $0x80, v3, vm0, $0xb8;
	[tilespmem:$0x10800] =	vst v63  }
0xe7: {  	_ =	swait.ge [sflag:s19], $0x4000  }
0xe8: {  	[sflag:s19] =	ssyncset.done $0x0  }
0xe9: {  	s12 =	rddreg [dreg:$0xa];
	[sflag:s19] =	ssyncadd.s32 $0xFFFFC000  }
0xea: {  	[hbm4b:s12+s3] =	stream.linear.scatter [tilespmem:s17], [sflag:$0x6], $0x4000, $0x38;
	[tilespmem:$0x10800] =	vst v63  }
0xeb: {  	_ =	swait.ge [sflag:s20], $0x4000  }
0xec: {  	[sflag:s20] =	ssyncset.done $0x0  }
0xed: {  	[sflag:s20] =	ssyncadd.s32 $0xFFFFC000  }
0xee: {  	v3 =	vld [tilespmem:$0x400];
	_ =	sdelay $0x4  }
0xef: {  	v56 =	vshll.u32 v3, $0x3  }
0xf0: {  	v3 =	vand.u32 $0x7, v3;
	v4 =	vand.u32 $0xFFFFFFC0, v56  }
0xf1: {  	v3 =	vor.u32 v3, v4  }
0xf2: {  	v4 =	vperm.xlane v3, v0;
	_ =	sdelay $0x1  }
0xf3: {  	v4 =	vadd.s32 v1, v4;
	_ =	sdelay $0x4  }
0xf4: {  	[tilespmem:s31], [sflag:$0x1] =	stream.indirect_vreg.gather [hbm4b:s2+s3], $0x80, v4, vm0, $0xb8;
	[tilespmem:$0x10800] =	vst v63  }
0xf5: {  	s28 =	simm.s32 $0x1000;
	v3 =	vperm.xlane v3, v2  }
0xf6: {  	[tilespmem:s28], [sflag:$0x1] =	stream.indirect_vreg.gather [hbm4b:s4+s3], $0x80, v4, vm0, $0xb8;
	[tilespmem:$0x10800] =	vst v63  }
0xf7: {  	v3 =	vadd.s32 v1, v3;
	s28 =	simm.s32 $0x1800  }
0xf8: {  	[tilespmem:s28], [sflag:$0x1] =	stream.indirect_vreg.gather [hbm4b:s5+s3], $0x80, v4, vm0, $0xb8;
	[tilespmem:$0x10800] =	vst v63  }
0xf9: {  	s28 =	simm.s32 $0x2000  }
0xfa: {  	[tilespmem:s28], [sflag:$0x1] =	stream.indirect_vreg.gather [hbm4b:s6+s3], $0x80, v4, vm0, $0xb8;
	[tilespmem:$0x10800] =	vst v63  }
0xfb: {  	s28 =	simm.s32 $0x2800  }
0xfc: {  	[tilespmem:s28], [sflag:$0x1] =	stream.indirect_vreg.gather [hbm4b:s2+s3], $0x80, v3, vm0, $0xb8;
	[tilespmem:$0x10800] =	vst v63  }
0xfd: {  	_ = 	snop  }
0xfe: {  	[tilespmem:s15], [sflag:$0x1] =	stream.indirect_vreg.gather [hbm4b:s4+s3], $0x80, v3, vm0, $0xb8;
	[tilespmem:$0x10800] =	vst v63  }
0xff: {  	_ = 	snop  }
0x100: {  	[tilespmem:s29], [sflag:$0x1] =	stream.indirect_vreg.gather [hbm4b:s5+s3], $0x80, v3, vm0, $0xb8;
	[tilespmem:$0x10800] =	vst v63  }
0x101: {  	_ = 	snop  }
0x102: {  	[tilespmem:s30], [sflag:$0x1] =	stream.indirect_vreg.gather [hbm4b:s6+s3], $0x80, v3, vm0, $0xb8;
	[tilespmem:$0x10800] =	vst v63  }
0x103: {  	_ =	swait.ge [sflag:s21], $0x4000  }
0x104: {  	[sflag:s21] =	ssyncset.done $0x0  }
0x105: {  	s12 =	rddreg [dreg:$0xb];
	[sflag:s21] =	ssyncadd.s32 $0xFFFFC000  }
0x106: {  	[hbm4b:s12+s3] =	stream.linear.scatter [tilespmem:s25], [sflag:$0x7], $0x4000, $0x38;
	[tilespmem:$0x10800] =	vst v63  }
0x107: {  	_ =	swait.ge [sflag:s22], $0x4000  }
0x108: {  	[sflag:s22] =	ssyncset.done $0x0  }
0x109: {  	[sflag:s22] =	ssyncadd.s32 $0xFFFFC000  }
0x10a: {  	v3 =	vld [tilespmem:$0x480];
	_ =	sdelay $0x4  }
0x10b: {  	v57 =	vshll.u32 v3, $0x3  }
0x10c: {  	v3 =	vand.u32 $0x7, v3;
	v4 =	vand.u32 $0xFFFFFFC0, v57  }
0x10d: {  	v3 =	vor.u32 v3, v4  }
0x10e: {  	v4 =	vperm.xlane v3, v0;
	_ =	sdelay $0x1  }
0x10f: {  	v4 =	vadd.s32 v1, v4;
	_ =	sdelay $0x4  }
0x110: {  	[tilespmem:s17], [sflag:$0x2] =	stream.indirect_vreg.gather [hbm4b:s2+s3], $0x80, v4, vm0, $0xb8;
	[tilespmem:$0x10800] =	vst v63  }
0x111: {  	s28 =	simm.s32 $0x5000;
	v3 =	vperm.xlane v3, v2  }
0x112: {  	[tilespmem:s28], [sflag:$0x2] =	stream.indirect_vreg.gather [hbm4b:s4+s3], $0x80, v4, vm0, $0xb8;
	[tilespmem:$0x10800] =	vst v63  }
0x113: {  	v3 =	vadd.s32 v1, v3;
	s28 =	simm.s32 $0x5800  }
0x114: {  	[tilespmem:s28], [sflag:$0x2] =	stream.indirect_vreg.gather [hbm4b:s5+s3], $0x80, v4, vm0, $0xb8;
	[tilespmem:$0x10800] =	vst v63  }
0x115: {  	s28 =	simm.s32 $0x6000  }
0x116: {  	[tilespmem:s28], [sflag:$0x2] =	stream.indirect_vreg.gather [hbm4b:s6+s3], $0x80, v4, vm0, $0xb8;
	[tilespmem:$0x10800] =	vst v63  }
0x117: {  	s28 =	simm.s32 $0x6800  }
0x118: {  	[tilespmem:s28], [sflag:$0x2] =	stream.indirect_vreg.gather [hbm4b:s2+s3], $0x80, v3, vm0, $0xb8;
	[tilespmem:$0x10800] =	vst v63  }
0x119: {  	s28 =	simm.s32 $0x7000  }
0x11a: {  	[tilespmem:s28], [sflag:$0x2] =	stream.indirect_vreg.gather [hbm4b:s4+s3], $0x80, v3, vm0, $0xb8;
	[tilespmem:$0x10800] =	vst v63  }
0x11b: {  	_ = 	snop  }
0x11c: {  	[tilespmem:s11], [sflag:$0x2] =	stream.indirect_vreg.gather [hbm4b:s5+s3], $0x80, v3, vm0, $0xb8;
	[tilespmem:$0x10800] =	vst v63  }
0x11d: {  	_ = 	snop  }
0x11e: {  	[tilespmem:s14], [sflag:$0x2] =	stream.indirect_vreg.gather [hbm4b:s6+s3], $0x80, v3, vm0, $0xb8;
	[tilespmem:$0x10800] =	vst v63  }
0x11f: {  	_ =	swait.ge [sflag:s23], $0x4000  }
0x120: {  	[sflag:s23] =	ssyncset.done $0x0  }
0x121: {  	s14 =	rddreg [dreg:$0xc];
	[sflag:s23] =	ssyncadd.s32 $0xFFFFC000  }
0x122: {  	[hbm4b:s14+s3] =	stream.linear.scatter [tilespmem:s10], [sflag:$0x8], $0x4000, $0x38;
	[tilespmem:$0x10800] =	vst v63  }
0x123: {  	_ =	swait.ge [sflag:s24], $0x4000  }
0x124: {  	[sflag:s24] =	ssyncset.done $0x0  }
0x125: {  	[sflag:s24] =	ssyncadd.s32 $0xFFFFC000  }
0x126: {  	v3 =	vld [tilespmem:$0x500];
	_ =	sdelay $0x4  }
0x127: {  	v58 =	vshll.u32 v3, $0x3  }
0x128: {  	v3 =	vand.u32 $0x7, v3;
	v4 =	vand.u32 $0xFFFFFFC0, v58  }
0x129: {  	v3 =	vor.u32 v3, v4  }
0x12a: {  	v4 =	vperm.xlane v3, v0;
	_ =	sdelay $0x1  }
0x12b: {  	v4 =	vadd.s32 v1, v4;
	_ =	sdelay $0x4  }
0x12c: {  	[tilespmem:s25], [sflag:$0x3] =	stream.indirect_vreg.gather [hbm4b:s2+s3], $0x80, v4, vm0, $0xb8;
	[tilespmem:$0x10800] =	vst v63  }
0x12d: {  	s28 =	simm.s32 $0x9000;
	v3 =	vperm.xlane v3, v2  }
0x12e: {  	[tilespmem:s28], [sflag:$0x3] =	stream.indirect_vreg.gather [hbm4b:s4+s3], $0x80, v4, vm0, $0xb8;
	[tilespmem:$0x10800] =	vst v63  }
0x12f: {  	v3 =	vadd.s32 v1, v3  }
0x130: {  	[tilespmem:s0], [sflag:$0x3] =	stream.indirect_vreg.gather [hbm4b:s5+s3], $0x80, v4, vm0, $0xb8;
	[tilespmem:$0x10800] =	vst v63  }
0x131: {  	_ = 	snop  }
0x132: {  	[tilespmem:s1], [sflag:$0x3] =	stream.indirect_vreg.gather [hbm4b:s6+s3], $0x80, v4, vm0, $0xb8;
	[tilespmem:$0x10800] =	vst v63  }
0x133: {  	_ = 	snop  }
0x134: {  	[tilespmem:s9], [sflag:$0x3] =	stream.indirect_vreg.gather [hbm4b:s2+s3], $0x80, v3, vm0, $0xb8;
	[tilespmem:$0x10800] =	vst v63  }
0x135: {  	_ = 	snop  }
0x136: {  	[tilespmem:s18], [sflag:$0x3] =	stream.indirect_vreg.gather [hbm4b:s4+s3], $0x80, v3, vm0, $0xb8;
	[tilespmem:$0x10800] =	vst v63  }
0x137: {  	_ = 	snop  }
0x138: {  	[tilespmem:s16], [sflag:$0x3] =	stream.indirect_vreg.gather [hbm4b:s5+s3], $0x80, v3, vm0, $0xb8;
	[tilespmem:$0x10800] =	vst v63  }
0x139: {  	s28 =	simm.s32 $0xC000  }
0x13a: {  	[tilespmem:s28], [sflag:$0x3] =	stream.indirect_vreg.gather [hbm4b:s6+s3], $0x80, v3, vm0, $0xb8;
	[tilespmem:$0x10800] =	vst v63  }
0x13b: {  	_ =	swait.ge [sflag:s8], $0x4000  }
0x13c: {  	[sflag:s8] =	ssyncset.done $0x0  }
0x13d: {  	s14 =	rddreg [dreg:$0xd];
	[sflag:s8] =	ssyncadd.s32 $0xFFFFC000  }
0x13e: {  	[hbm4b:s14+s3] =	stream.linear.scatter [tilespmem:s31], [sflag:$0x5], $0x4000, $0x38;
	[tilespmem:$0x10800] =	vst v63  }
0x13f: {  	_ =	swait.ge [sflag:s26], $0x4000  }
0x140: {  	[sflag:s26] =	ssyncset.done $0x0  }
0x141: {  	[sflag:s26] =	ssyncadd.s32 $0xFFFFC000  }
0x142: {  	v3 =	vld [tilespmem:$0x580];
	_ =	sdelay $0x4  }
0x143: {  	v59 =	vshll.u32 v3, $0x3  }
0x144: {  	v3 =	vand.u32 $0x7, v3;
	v4 =	vand.u32 $0xFFFFFFC0, v59  }
0x145: {  	v3 =	vor.u32 v3, v4  }
0x146: {  	v4 =	vperm.xlane v3, v0;
	_ =	sdelay $0x1  }
0x147: {  	v4 =	vadd.s32 v1, v4;
	_ =	sdelay $0x4  }
0x148: {  	[tilespmem:s10], [sflag:$0x4] =	stream.indirect_vreg.gather [hbm4b:s2+s3], $0x80, v4, vm0, $0xb8;
	[tilespmem:$0x10800] =	vst v63  }
0x149: {  	s28 =	simm.s32 $0xD000;
	v3 =	vperm.xlane v3, v2  }
0x14a: {  	[tilespmem:s28], [sflag:$0x4] =	stream.indirect_vreg.gather [hbm4b:s4+s3], $0x80, v4, vm0, $0xb8;
	[tilespmem:$0x10800] =	vst v63  }
0x14b: {  	s13 =	simm.s32 $0xD800;
	v3 =	vadd.s32 v1, v3  }
0x14c: {  	[tilespmem:s13], [sflag:$0x4] =	stream.indirect_vreg.gather [hbm4b:s5+s3], $0x80, v4, vm0, $0xb8;
	[tilespmem:$0x10800] =	vst v63  }
0x14d: {  	s28 =	simm.s32 $0xE000  }
0x14e: {  	[tilespmem:s28], [sflag:$0x4] =	stream.indirect_vreg.gather [hbm4b:s6+s3], $0x80, v4, vm0, $0xb8;
	[tilespmem:$0x10800] =	vst v63  }
0x14f: {  	s28 =	simm.s32 $0xE800  }
0x150: {  	[tilespmem:s28], [sflag:$0x4] =	stream.indirect_vreg.gather [hbm4b:s2+s3], $0x80, v3, vm0, $0xb8;
	[tilespmem:$0x10800] =	vst v63  }
0x151: {  	s28 =	simm.s32 $0xF000  }
0x152: {  	[tilespmem:s28], [sflag:$0x4] =	stream.indirect_vreg.gather [hbm4b:s4+s3], $0x80, v3, vm0, $0xb8;
	[tilespmem:$0x10800] =	vst v63  }
0x153: {  	s28 =	simm.s32 $0xF800  }
0x154: {  	[tilespmem:s28], [sflag:$0x4] =	stream.indirect_vreg.gather [hbm4b:s5+s3], $0x80, v3, vm0, $0xb8;
	[tilespmem:$0x10800] =	vst v63  }
0x155: {  	s28 =	simm.s32 $0x10000  }
0x156: {  	[tilespmem:s28], [sflag:$0x4] =	stream.indirect_vreg.gather [hbm4b:s6+s3], $0x80, v3, vm0, $0xb8;
	[tilespmem:$0x10800] =	vst v63  }
0x157: {  	_ =	swait.ge [sflag:s19], $0x4000  }
0x158: {  	[sflag:s19] =	ssyncset.done $0x0  }
0x159: {  	s28 =	rddreg [dreg:$0xe];
	[sflag:s19] =	ssyncadd.s32 $0xFFFFC000  }
0x15a: {  	[hbm4b:s28+s3] =	stream.linear.scatter [tilespmem:s17], [sflag:$0x6], $0x4000, $0x38;
	[tilespmem:$0x10800] =	vst v63  }
0x15b: {  	_ =	swait.ge [sflag:s20], $0x4000  }
0x15c: {  	[sflag:s20] =	ssyncset.done $0x0  }
0x15d: {  	[sflag:s20] =	ssyncadd.s32 $0xFFFFC000  }
0x15e: {  	v3 =	vld [tilespmem:$0x600];
	_ =	sdelay $0x4  }
0x15f: {  	v60 =	vshll.u32 v3, $0x3  }
0x160: {  	v3 =	vand.u32 $0x7, v3;
	v4 =	vand.u32 $0xFFFFFFC0, v60  }
0x161: {  	v3 =	vor.u32 v3, v4  }
0x162: {  	v4 =	vperm.xlane v3, v0;
	_ =	sdelay $0x1  }
0x163: {  	v4 =	vadd.s32 v1, v4;
	_ =	sdelay $0x4  }
0x164: {  	[tilespmem:s31], [sflag:$0x1] =	stream.indirect_vreg.gather [hbm4b:s2+s3], $0x80, v4, vm0, $0xb8;
	[tilespmem:$0x10800] =	vst v63  }
0x165: {  	s28 =	simm.s32 $0x1000;
	v3 =	vperm.xlane v3, v2  }
0x166: {  	[tilespmem:s28], [sflag:$0x1] =	stream.indirect_vreg.gather [hbm4b:s4+s3], $0x80, v4, vm0, $0xb8;
	[tilespmem:$0x10800] =	vst v63  }
0x167: {  	v3 =	vadd.s32 v1, v3;
	s28 =	simm.s32 $0x1800  }
0x168: {  	[tilespmem:s28], [sflag:$0x1] =	stream.indirect_vreg.gather [hbm4b:s5+s3], $0x80, v4, vm0, $0xb8;
	[tilespmem:$0x10800] =	vst v63  }
0x169: {  	s28 =	simm.s32 $0x2000  }
0x16a: {  	[tilespmem:s28], [sflag:$0x1] =	stream.indirect_vreg.gather [hbm4b:s6+s3], $0x80, v4, vm0, $0xb8;
	[tilespmem:$0x10800] =	vst v63  }
0x16b: {  	s28 =	simm.s32 $0x2800  }
0x16c: {  	[tilespmem:s28], [sflag:$0x1] =	stream.indirect_vreg.gather [hbm4b:s2+s3], $0x80, v3, vm0, $0xb8;
	[tilespmem:$0x10800] =	vst v63  }
0x16d: {  	s15 =	simm.s32 $0x3000  }
0x16e: {  	[tilespmem:s15], [sflag:$0x1] =	stream.indirect_vreg.gather [hbm4b:s4+s3], $0x80, v3, vm0, $0xb8;
	[tilespmem:$0x10800] =	vst v63  }
0x16f: {  	s29 =	simm.s32 $0x3800  }
0x170: {  	[tilespmem:s29], [sflag:$0x1] =	stream.indirect_vreg.gather [hbm4b:s5+s3], $0x80, v3, vm0, $0xb8;
	[tilespmem:$0x10800] =	vst v63  }
0x171: {  	s30 =	simm.s32 $0x4000  }
0x172: {  	[tilespmem:s30], [sflag:$0x1] =	stream.indirect_vreg.gather [hbm4b:s6+s3], $0x80, v3, vm0, $0xb8;
	[tilespmem:$0x10800] =	vst v63  }
0x173: {  	_ =	swait.ge [sflag:s21], $0x4000  }
0x174: {  	[sflag:s21] =	ssyncset.done $0x0  }
0x175: {  	s29 =	rddreg [dreg:$0xf];
	[sflag:s21] =	ssyncadd.s32 $0xFFFFC000  }
0x176: {  	[hbm4b:s29+s3] =	stream.linear.scatter [tilespmem:s25], [sflag:$0x7], $0x4000, $0x38;
	[tilespmem:$0x10800] =	vst v63  }
0x177: {  	_ =	swait.ge [sflag:s22], $0x4000  }
0x178: {  	[sflag:s22] =	ssyncset.done $0x0  }
0x179: {  	[sflag:s22] =	ssyncadd.s32 $0xFFFFC000  }
0x17a: {  	v3 =	vld [tilespmem:$0x680];
	_ =	sdelay $0x4  }
0x17b: {  	v61 =	vshll.u32 v3, $0x3  }
0x17c: {  	v3 =	vand.u32 $0x7, v3;
	v4 =	vand.u32 $0xFFFFFFC0, v61  }
0x17d: {  	v3 =	vor.u32 v3, v4  }
0x17e: {  	v4 =	vperm.xlane v3, v0;
	_ =	sdelay $0x1  }
0x17f: {  	v4 =	vadd.s32 v1, v4;
	_ =	sdelay $0x4  }
0x180: {  	[tilespmem:s17], [sflag:$0x2] =	stream.indirect_vreg.gather [hbm4b:s2+s3], $0x80, v4, vm0, $0xb8;
	[tilespmem:$0x10800] =	vst v63  }
0x181: {  	s30 =	simm.s32 $0x5000;
	v3 =	vperm.xlane v3, v2  }
0x182: {  	[tilespmem:s30], [sflag:$0x2] =	stream.indirect_vreg.gather [hbm4b:s4+s3], $0x80, v4, vm0, $0xb8;
	[tilespmem:$0x10800] =	vst v63  }
0x183: {  	s28 =	simm.s32 $0x5800;
	v3 =	vadd.s32 v1, v3  }
0x184: {  	[tilespmem:s28], [sflag:$0x2] =	stream.indirect_vreg.gather [hbm4b:s5+s3], $0x80, v4, vm0, $0xb8;
	[tilespmem:$0x10800] =	vst v63  }
0x185: {  	s29 =	simm.s32 $0x6000  }
0x186: {  	[tilespmem:s29], [sflag:$0x2] =	stream.indirect_vreg.gather [hbm4b:s6+s3], $0x80, v4, vm0, $0xb8;
	[tilespmem:$0x10800] =	vst v63  }
0x187: {  	s30 =	simm.s32 $0x6800  }
0x188: {  	[tilespmem:s30], [sflag:$0x2] =	stream.indirect_vreg.gather [hbm4b:s2+s3], $0x80, v3, vm0, $0xb8;
	[tilespmem:$0x10800] =	vst v63  }
0x189: {  	s28 =	simm.s32 $0x7000  }
0x18a: {  	[tilespmem:s28], [sflag:$0x2] =	stream.indirect_vreg.gather [hbm4b:s4+s3], $0x80, v3, vm0, $0xb8;
	[tilespmem:$0x10800] =	vst v63  }
0x18b: {  	s11 =	simm.s32 $0x7800  }
0x18c: {  	[tilespmem:s11], [sflag:$0x2] =	stream.indirect_vreg.gather [hbm4b:s5+s3], $0x80, v3, vm0, $0xb8;
	[tilespmem:$0x10800] =	vst v63  }
0x18d: {  	s12 =	simm.s32 $0x8000  }
0x18e: {  	[tilespmem:s12], [sflag:$0x2] =	stream.indirect_vreg.gather [hbm4b:s6+s3], $0x80, v3, vm0, $0xb8;
	[tilespmem:$0x10800] =	vst v63  }
0x18f: {  	_ =	swait.ge [sflag:s23], $0x4000  }
0x190: {  	[sflag:s23] =	ssyncset.done $0x0  }
0x191: {  	s29 =	rddreg [dreg:$0x10];
	[sflag:s23] =	ssyncadd.s32 $0xFFFFC000  }
0x192: {  	[hbm4b:s29+s3] =	stream.linear.scatter [tilespmem:s10], [sflag:$0x8], $0x4000, $0x38;
	[tilespmem:$0x10800] =	vst v63  }
0x193: {  	_ =	swait.ge [sflag:s24], $0x4000  }
0x194: {  	[sflag:s24] =	ssyncset.done $0x0  }
0x195: {  	[sflag:s24] =	ssyncadd.s32 $0xFFFFC000  }
0x196: {  	v3 =	vld [tilespmem:$0x700];
	_ =	sdelay $0x4  }
0x197: {  	v62 =	vshll.u32 v3, $0x3  }
0x198: {  	v3 =	vand.u32 $0x7, v3;
	v4 =	vand.u32 $0xFFFFFFC0, v62  }
0x199: {  	v3 =	vor.u32 v3, v4  }
0x19a: {  	v4 =	vperm.xlane v3, v0;
	_ =	sdelay $0x1  }
0x19b: {  	v4 =	vadd.s32 v1, v4;
	_ =	sdelay $0x4  }
0x19c: {  	[tilespmem:s25], [sflag:$0x3] =	stream.indirect_vreg.gather [hbm4b:s2+s3], $0x80, v4, vm0, $0xb8;
	[tilespmem:$0x10800] =	vst v63  }
0x19d: {  	s30 =	simm.s32 $0x9000;
	v3 =	vperm.xlane v3, v2  }
0x19e: {  	[tilespmem:s30], [sflag:$0x3] =	stream.indirect_vreg.gather [hbm4b:s4+s3], $0x80, v4, vm0, $0xb8;
	[tilespmem:$0x10800] =	vst v63  }
0x19f: {  	s0 =	simm.s32 $0x9800;
	v3 =	vadd.s32 v1, v3  }
0x1a0: {  	[tilespmem:s0], [sflag:$0x3] =	stream.indirect_vreg.gather [hbm4b:s5+s3], $0x80, v4, vm0, $0xb8;
	[tilespmem:$0x10800] =	vst v63  }
0x1a1: {  	s1 =	simm.s32 $0xA000  }
0x1a2: {  	[tilespmem:s1], [sflag:$0x3] =	stream.indirect_vreg.gather [hbm4b:s6+s3], $0x80, v4, vm0, $0xb8;
	[tilespmem:$0x10800] =	vst v63  }
0x1a3: {  	s9 =	simm.s32 $0xA800  }
0x1a4: {  	[tilespmem:s9], [sflag:$0x3] =	stream.indirect_vreg.gather [hbm4b:s2+s3], $0x80, v3, vm0, $0xb8;
	[tilespmem:$0x10800] =	vst v63  }
0x1a5: {  	s18 =	simm.s32 $0xB000  }
0x1a6: {  	[tilespmem:s18], [sflag:$0x3] =	stream.indirect_vreg.gather [hbm4b:s4+s3], $0x80, v3, vm0, $0xb8;
	[tilespmem:$0x10800] =	vst v63  }
0x1a7: {  	s16 =	simm.s32 $0xB800  }
0x1a8: {  	[tilespmem:s16], [sflag:$0x3] =	stream.indirect_vreg.gather [hbm4b:s5+s3], $0x80, v3, vm0, $0xb8;
	[tilespmem:$0x10800] =	vst v63  }
0x1a9: {  	s9 =	simm.s32 $0xC000  }
0x1aa: {  	[tilespmem:s9], [sflag:$0x3] =	stream.indirect_vreg.gather [hbm4b:s6+s3], $0x80, v3, vm0, $0xb8;
	[tilespmem:$0x10800] =	vst v63  }
0x1ab: {  	_ =	swait.ge [sflag:s8], $0x4000  }
0x1ac: {  	[sflag:s8] =	ssyncset.done $0x0  }
0x1ad: {  	s11 =	rddreg [dreg:$0x11];
	[sflag:s8] =	ssyncadd.s32 $0xFFFFC000  }
0x1ae: {  	[hbm4b:s11+s3] =	stream.linear.scatter [tilespmem:s31], [sflag:$0x5], $0x4000, $0x38;
	[tilespmem:$0x10800] =	vst v63  }
0x1af: {  	_ =	swait.ge [sflag:s26], $0x4000  }
0x1b0: {  	[sflag:s26] =	ssyncset.done $0x0  }
0x1b1: {  	[sflag:s26] =	ssyncadd.s32 $0xFFFFC000  }
0x1b2: {  	v3 =	vld [tilespmem:$0x780];
	_ =	sdelay $0x4  }
0x1b3: {  	v63 =	vshll.u32 v3, $0x3  }
0x1b4: {  	v3 =	vand.u32 $0x7, v3;
	v4 =	vand.u32 $0xFFFFFFC0, v63  }
0x1b5: {  	v3 =	vor.u32 v3, v4  }
0x1b6: {  	v4 =	vperm.xlane v3, v0;
	_ =	sdelay $0x1  }
0x1b7: {  	v4 =	vadd.s32 v1, v4;
	_ =	sdelay $0x4  }
0x1b8: {  	[tilespmem:s10], [sflag:$0x4] =	stream.indirect_vreg.gather [hbm4b:s2+s3], $0x80, v4, vm0, $0xb8;
	[tilespmem:$0x10800] =	vst v63  }
0x1b9: {  	s12 =	simm.s32 $0xD000;
	v3 =	vperm.xlane v3, v2  }
0x1ba: {  	[tilespmem:s12], [sflag:$0x4] =	stream.indirect_vreg.gather [hbm4b:s4+s3], $0x80, v4, vm0, $0xb8;
	[tilespmem:$0x10800] =	vst v63  }
0x1bb: {  	s14 =	simm.s32 $0xD800;
	v3 =	vadd.s32 v1, v3  }
0x1bc: {  	[tilespmem:s14], [sflag:$0x4] =	stream.indirect_vreg.gather [hbm4b:s5+s3], $0x80, v4, vm0, $0xb8;
	[tilespmem:$0x10800] =	vst v63  }
0x1bd: {  	s13 =	simm.s32 $0xE000  }
0x1be: {  	[tilespmem:s13], [sflag:$0x4] =	stream.indirect_vreg.gather [hbm4b:s6+s3], $0x80, v4, vm0, $0xb8;
	[tilespmem:$0x10800] =	vst v63  }
0x1bf: {  	s13 =	simm.s32 $0xE800  }
0x1c0: {  	[tilespmem:s13], [sflag:$0x4] =	stream.indirect_vreg.gather [hbm4b:s2+s3], $0x80, v3, vm0, $0xb8;
	[tilespmem:$0x10800] =	vst v63  }
0x1c1: {  	s14 =	simm.s32 $0xF000  }
0x1c2: {  	[tilespmem:s14], [sflag:$0x4] =	stream.indirect_vreg.gather [hbm4b:s4+s3], $0x80, v3, vm0, $0xb8;
	[tilespmem:$0x10800] =	vst v63  }
0x1c3: {  	s15 =	simm.s32 $0xF800  }
0x1c4: {  	[tilespmem:s15], [sflag:$0x4] =	stream.indirect_vreg.gather [hbm4b:s5+s3], $0x80, v3, vm0, $0xb8;
	[tilespmem:$0x10800] =	vst v63  }
0x1c5: {  	s16 =	simm.s32 $0x10000  }
0x1c6: {  	[tilespmem:s16], [sflag:$0x4] =	stream.indirect_vreg.gather [hbm4b:s6+s3], $0x80, v3, vm0, $0xb8;
	[tilespmem:$0x10800] =	vst v63  }
0x1c7: {  	_ =	swait.ge [sflag:s19], $0x4000  }
0x1c8: {  	[sflag:s19] =	ssyncset.done $0x0  }
0x1c9: {  	s18 =	rddreg [dreg:$0x12];
	[sflag:s19] =	ssyncadd.s32 $0xFFFFC000  }
0x1ca: {  	[hbm4b:s18+s3] =	stream.linear.scatter [tilespmem:s17], [sflag:$0x6], $0x4000, $0x38;
	[tilespmem:$0x10800] =	vst v63  }
0x1cb: {  	_ =	swait.ge [sflag:s21], $0x4000  }
0x1cc: {  	[sflag:s21] =	ssyncset.done $0x0  }
0x1cd: {  	s29 =	rddreg [dreg:$0x13];
	[sflag:s21] =	ssyncadd.s32 $0xFFFFC000  }
0x1ce: {  	[hbm4b:s29+s3] =	stream.linear.scatter [tilespmem:s25], [sflag:$0x7], $0x4000, $0x38;
	[tilespmem:$0x10800] =	vst v63  }
0x1cf: {  	_ =	swait.ge [sflag:s23], $0x4000  }
0x1d0: {  	[sflag:s23] =	ssyncset.done $0x0  }
0x1d1: {  	s30 =	rddreg [dreg:$0x14];
	[sflag:s23] =	ssyncadd.s32 $0xFFFFC000  }
0x1d2: {  	[hbm4b:s30+s3] =	stream.linear.scatter [tilespmem:s10], [sflag:$0x8], $0x4000, $0x38;
	[tilespmem:$0x10800] =	vst v63  }
0x1d3: {  	_ =	swait.ge [sflag:s20], $0x4000  }
0x1d4: {  	[sflag:s20] =	ssyncset.done $0x0  }
0x1d5: {  	[sflag:s20] =	ssyncadd.s32 $0xFFFFC000  }
0x1d6: {  	_ =	swait.ge [sflag:s22], $0x4000  }
0x1d7: {  	[sflag:s22] =	ssyncset.done $0x0  }
0x1d8: {  	[sflag:s22] =	ssyncadd.s32 $0xFFFFC000  }
0x1d9: {  	p0 =	sne.s32 s7, $0x1;
	_ =	swait.ge [sflag:s24], $0x4000  }
.Ltmp0:
0x1da: {  	[sflag:s24] =	ssyncset.done $0x0;
	(pc) =	sbr.rel @p0 .LBB2_1-.Ltmp0, $4  }
0x1db: {  	[sflag:s24] =	ssyncadd.s32 $0xFFFFC000  }
0x1dc: {  	_ =	swait.ge [sflag:s26], $0x4000  }
0x1dd: {  	[sflag:s26] =	ssyncset.done $0x0  }
0x1de: {  	s7 =	sadd.s32 $0xFFFFFFFF, s7;
	[sflag:s26] =	ssyncadd.s32 $0xFFFFC000  }
0x1df: {  	_ =	sfence.sel $0x180000  }
0x1e0: {  	[bflag:$0x0] =	sbarrier.arrive $0xFFFF  }
0x1e1: {  	_ =	strace $0x90000047  }
0x1e2: {  	s0 =	stileid.u32;
	[bflag:$0x2] =	sbarrier.arrive $0xFFFF  }
0x1e3: {  	p0 =	sne.s32 s0, $0x0;
	s0 =	rddreg [dreg:$0x3]  }
0x1e4: {  	s0 =	sadd.s32 @!p0 $0x100000, s0  }
0x1e5: {  	[sflag:s0] =	ssyncadd.tile.s32 @!p0 $0x1;
	_ =	shalt  }
.Lfunc_end2:
_tile_overlayer_lowered:
.L_overlay_start_2:
0x1e6: {  	(tag) =	ssettag $0x2  }
0x1e7: {  	s0 =	rddreg [dreg:$0x0];
	s2 =	stileid.u32  }
0x1e8: {  	s1 =	rddreg [dreg:$0x1];
	p0 =	sne.s32 s2, $0x0  }
0x1e9: {  	s3 =	rddreg [dreg:$0x2];
	[bflag:$0x3] =	sbarrier.arrive $0xFFFF;
	s2 =	simm.s32 @!p0 $0x1C09  }
0x1ea: {  	[timem:s3], [sflag:s2] =	dma.local @!p0 [hbm:s0], s1  }
0x1eb: {  	s0 =	simm.s32 @!p0 $0x9  }
0x1ec: {  	_ =	swait.ge @!p0 [sflag:s0], s1  }
0x1ed: {  	s1 =	ssub.s32 @!p0 $0x0, s1;
	[sflag:s0] =	ssyncset.done @!p0 $0x0  }
0x1ee: {  	[sflag:s0] =	ssyncadd.s32 @!p0 s1  }
0x1ef: {  	[bflag:$0x3] =	sbarrier.arrive $0xFFFF  }
0x1f0: {  	_ =	shalt  }

</sc_bundles>
